<compile_context>
chip_gen: v7x
topology: tpu7x:2x2x1
jax: 0.10.2.dev20260603
libtpu: 0.0.44.dev20260713+nightly
codegen_flags: <defaults>
</compile_context>

<pallas_src>
import functools

import jax
import jax.numpy as jnp
from jax import lax
from jax.experimental import pallas as pl
from jax.experimental.pallas import tpu as pltpu
from jax.experimental.pallas import tpu_sc as plsc

N = 10000
D = 128
E = 320000
NC = 2
NS = 16
NW = NC * NS
K = 128
NCH = 80
EPW = NCH * K
EPAD = NW * EPW
ROWS_PER_SUB = 632
NP = ROWS_PER_SUB * NS
NBUF = 2
L = 16

_mesh = plsc.VectorSubcoreMesh(core_axis_name="c", subcore_axis_name="s")


def _matmul_body(x_ref, w_ref, o_ref):
    o_ref[...] = jnp.dot(x_ref[...], w_ref[...],
                         preferred_element_type=jnp.float32)


def _matmul(x, W):
    Bn = 2000
    return pl.pallas_call(
        _matmul_body,
        grid=(N // Bn,),
        in_specs=[pl.BlockSpec((Bn, D), lambda i: (i, 0)),
                  pl.BlockSpec((D, D), lambda i: (0, 0))],
        out_specs=pl.BlockSpec((Bn, D), lambda i: (i, 0)),
        out_shape=jax.ShapeDtypeStruct((N, D), jnp.float32),
    )(x, W)


@functools.partial(
    pl.kernel,
    out_type=jax.ShapeDtypeStruct((NC, NP, 16), jnp.float32),
    mesh=_mesh,
    scratch_types=[
        pltpu.VMEM((NCH, 1, K), jnp.int32),
        pltpu.VMEM((K, 16), jnp.float32),
        [pltpu.VMEM((1, K), jnp.int32)] * NBUF,
        pltpu.VMEM_SHARED((NP, 16), jnp.float32),
        [pltpu.SemaphoreType.DMA] * NBUF,
    ],
    compiler_params=pltpu.CompilerParams(use_tc_tiling_on_sc=False),
)
def _deg_kernel(packed_hbm, zeros_hbm, ones_hbm, out_hbm,
                packed_v, ones_v, dstc, acc_sh, sems):
    cid = lax.axis_index("c")
    sid = lax.axis_index("s")
    wid = cid * NS + sid
    row0 = sid * ROWS_PER_SUB
    pltpu.sync_copy(zeros_hbm.at[pl.ds(row0, ROWS_PER_SUB)],
                    acc_sh.at[pl.ds(row0, ROWS_PER_SUB)])
    pltpu.sync_copy(ones_hbm, ones_v)
    pltpu.sync_copy(packed_hbm.at[wid], packed_v)
    plsc.subcore_barrier()

    def unpack_dst(j, buf):
        for i in range(K // L):
            v = packed_v[j, 0, pl.ds(i * L, L)]
            buf[0, pl.ds(i * L, L)] = v >> 16

    @pl.loop(0, NCH, step=NBUF)
    def _(c):
        for b in range(NBUF):
            @pl.when(c > 0)
            def _():
                pltpu.make_async_copy(
                    ones_v, acc_sh.at[dstc[b].at[0]], sems[b]).wait()

            unpack_dst(c + b, dstc[b])
            pltpu.async_copy(ones_v, acc_sh.at[dstc[b].at[0]],
                             sems[b], add=True)

    for b in range(NBUF):
        pltpu.make_async_copy(ones_v, acc_sh.at[dstc[b].at[0]],
                              sems[b]).wait()

    plsc.subcore_barrier()
    pltpu.sync_copy(acc_sh.at[pl.ds(row0, ROWS_PER_SUB)],
                    out_hbm.at[cid, pl.ds(row0, ROWS_PER_SUB)])


def _scale_body(xw_ref, degp_ref, o_ref):
    deg = 1.0 + degp_ref[0, :, 0:1] + degp_ref[1, :, 0:1]
    o_ref[...] = xw_ref[...] / jnp.sqrt(deg)


def _scale(xw, degp):
    Bn = 2000
    return pl.pallas_call(
        _scale_body,
        grid=(N // Bn,),
        in_specs=[pl.BlockSpec((Bn, D), lambda i: (i, 0)),
                  pl.BlockSpec((NC, Bn, 16), lambda i: (0, i, 0))],
        out_specs=pl.BlockSpec((Bn, D), lambda i: (i, 0)),
        out_shape=jax.ShapeDtypeStruct((N, D), jnp.float32),
    )(xw, degp)


@functools.partial(
    pl.kernel,
    out_type=jax.ShapeDtypeStruct((NC, NP, D), jnp.float32),
    mesh=_mesh,
    scratch_types=[
        pltpu.VMEM((NCH, 1, K), jnp.int32),
        [pltpu.VMEM((1, K), jnp.int32)] * NBUF,
        [pltpu.VMEM((1, K), jnp.int32)] * NBUF,
        [pltpu.VMEM((K, D), jnp.float32)] * NBUF,
        pltpu.VMEM_SHARED((NP, D), jnp.float32),
        [pltpu.SemaphoreType.DMA] * NBUF,
        [pltpu.SemaphoreType.DMA] * NBUF,
    ],
)
def _edge_kernel(table_hbm, packed_hbm, zeros_hbm, out_hbm,
                 packed_v, srcc, dstc, rows, acc_sh, gsems, ssems):
    cid = lax.axis_index("c")
    sid = lax.axis_index("s")
    wid = cid * NS + sid
    row0 = sid * ROWS_PER_SUB
    pltpu.sync_copy(zeros_hbm.at[pl.ds(row0, ROWS_PER_SUB)],
                    acc_sh.at[pl.ds(row0, ROWS_PER_SUB)])
    pltpu.sync_copy(packed_hbm.at[wid], packed_v)
    plsc.subcore_barrier()

    def unpack(j, sbuf, dbuf):
        for i in range(K // L):
            v = packed_v[j, 0, pl.ds(i * L, L)]
            sbuf[0, pl.ds(i * L, L)] = v & 0xFFFF
            dbuf[0, pl.ds(i * L, L)] = v >> 16

    for b in range(NBUF):
        unpack(b, srcc[b], dstc[b])
        pltpu.async_copy(table_hbm.at[srcc[b].at[0]], rows[b], gsems[b])

    @pl.loop(0, NCH, step=NBUF)
    def _(c):
        for b in range(NBUF):
            pltpu.make_async_copy(table_hbm.at[srcc[b].at[0]],
                                  rows[b], gsems[b]).wait()
            pltpu.async_copy(rows[b], acc_sh.at[dstc[b].at[0]],
                             ssems[b], add=True)
            pltpu.make_async_copy(rows[b], acc_sh.at[dstc[b].at[0]],
                                  ssems[b]).wait()

            @pl.when(c + b + NBUF < NCH)
            def _():
                unpack(c + b + NBUF, srcc[b], dstc[b])
                pltpu.async_copy(table_hbm.at[srcc[b].at[0]],
                                 rows[b], gsems[b])

    plsc.subcore_barrier()
    pltpu.sync_copy(acc_sh.at[pl.ds(row0, ROWS_PER_SUB)],
                    out_hbm.at[cid, pl.ds(row0, ROWS_PER_SUB)])


def _final_body(s_ref, xw_ref, degp_ref, b_ref, a_ref, o_ref):
    deg = 1.0 + degp_ref[0, :, 0:1] + degp_ref[1, :, 0:1]
    dinv = 1.0 / jnp.sqrt(deg)
    s = (s_ref[0] + s_ref[1]) * dinv + xw_ref[...] * (dinv * dinv) + b_ref[...]
    o_ref[...] = jnp.where(s > 0, s, a_ref[...] * s)


def _final(sums, xw, degp, b2, a2):
    Bn = 2000
    return pl.pallas_call(
        _final_body,
        grid=(N // Bn,),
        in_specs=[pl.BlockSpec((NC, Bn, D), lambda i: (0, i, 0)),
                  pl.BlockSpec((Bn, D), lambda i: (i, 0)),
                  pl.BlockSpec((NC, Bn, 16), lambda i: (0, i, 0)),
                  pl.BlockSpec((1, D), lambda i: (0, 0)),
                  pl.BlockSpec((1, D), lambda i: (0, 0))],
        out_specs=pl.BlockSpec((Bn, D), lambda i: (i, 0)),
        out_shape=jax.ShapeDtypeStruct((N, D), jnp.float32),
    )(sums, xw, degp, b2, a2)


def kernel(x, edge_index, W, b, prelu_a):
    src = edge_index[0].astype(jnp.int32)
    dst = edge_index[1].astype(jnp.int32)
    src_p = jnp.concatenate([src, jnp.zeros((EPAD - E,), jnp.int32)])
    dst_p = jnp.concatenate([dst, jnp.full((EPAD - E,), NP - 1, jnp.int32)])
    packed = (src_p | (dst_p << 16)).reshape(NW, NCH, 1, K)
    xw = _matmul(x, W)
    zeros_n16 = jnp.zeros((NP, 16), jnp.float32)
    zeros_nd = jnp.zeros((NP, D), jnp.float32)
    ones_k16 = jnp.ones((K, 16), jnp.float32)
    degp = _deg_kernel(packed, zeros_n16, ones_k16)
    scaled = _scale(xw, degp)
    sums = _edge_kernel(scaled, packed, zeros_nd)
    return _final(sums, xw, degp, b.reshape(1, D), prelu_a.reshape(1, D))

# --- scband reference (transcript-rebuilt; emitter-appended) ---
"""Pipeline reference for scband-encoder-11536282157710 (READ-ONLY COPY).

The authoritative reference and input builder live on the scoring server;
editing this copy changes nothing except your own understanding.
"""

import jax, jax.numpy as jnp
import numpy as np

N_NODES = 10000
N_EDGES = 320000
D_IN = 128
D_H = 128


def setup_inputs(seed: int = 0) -> dict:
    key = jax.random.key(seed)
    k1, k2, k3 = jax.random.split(key, 3)
    x = jax.random.normal(k1, (N_NODES, D_IN), dtype=jnp.float32)
    edge_index = jax.random.randint(k2, (2, N_EDGES), 0, N_NODES)
    # GCNConv parameters: linear weight (glorot-ish) and bias
    W = jax.random.normal(k3, (D_IN, D_H), dtype=jnp.float32) * (1.0 / np.sqrt(D_IN))
    b = jnp.zeros((D_H,), dtype=jnp.float32)
    # PReLU per-channel weight, torch default init 0.25
    prelu_a = jnp.full((D_H,), 0.25, dtype=jnp.float32)
    return {"x": x, "edge_index": edge_index, "W": W, "b": b, "prelu_a": prelu_a}


def reference(x, edge_index, W, b, prelu_a):
    # GCNConv: out = D^{-1/2} (A + I) D^{-1/2} (x W) + b
    N = x.shape[0]
    xw = x @ W
    src = edge_index[0]
    dst = edge_index[1]
    # add self-loops
    loop = jnp.arange(N, dtype=src.dtype)
    src = jnp.concatenate([src, loop])
    dst = jnp.concatenate([dst, loop])
    # symmetric normalization: deg computed over dst (col) with unit edge weights
    deg = jnp.zeros((N,), dtype=xw.dtype).at[dst].add(1.0)
    deg_inv_sqrt = jnp.where(deg > 0, 1.0 / jnp.sqrt(deg), 0.0)
    norm = deg_inv_sqrt[src] * deg_inv_sqrt[dst]
    # gather messages from src nodes, scale, scatter-add to dst nodes
    msgs = xw[src] * norm[:, None]
    out = jax.ops.segment_sum(msgs, dst, num_segments=N)
    out = out + b
    # PReLU with per-channel weight
    out = jnp.where(out > 0, out, prelu_a * out)
    return out

if __name__ == "__main__":
    import jax
    _d = setup_inputs()
    print(jax.jit(kernel)(*tuple(_d.values())))

</pallas_src>

<mosaic_0001>
#map = affine_map<(d0, d1) -> (0, 0)>
#map1 = affine_map<(d0, d1) -> (0, 0, 0, 0)>
#map2 = affine_map<(d0, d1) -> (0, 0, 0)>
module attributes {stable_mosaic.version = 14 : i64} {
  func.func @_edge_kernel(%arg0: i32, %arg1: i32, %arg2: memref<10000x128xf32, #tpu.memory_space<hbm>>, %arg3: memref<32x80x1x128xi32, #tpu.memory_space<hbm>>, %arg4: memref<10112x128xf32, #tpu.memory_space<hbm>>, %arg5: memref<2x10112x128xf32, #tpu.memory_space<hbm>>, %arg6: memref<80x1x128xi32, #tpu.memory_space<vmem>>, %arg7: memref<1x128xi32, #tpu.memory_space<vmem>>, %arg8: memref<1x128xi32, #tpu.memory_space<vmem>>, %arg9: memref<1x128xi32, #tpu.memory_space<vmem>>, %arg10: memref<1x128xi32, #tpu.memory_space<vmem>>, %arg11: memref<128x128xf32, #tpu.memory_space<vmem>>, %arg12: memref<128x128xf32, #tpu.memory_space<vmem>>, %arg13: memref<10112x128xf32, #tpu.memory_space<vmem_shared>>, %arg14: memref<!tpu.dma_semaphore, #tpu.memory_space<semaphore_mem>>, %arg15: memref<!tpu.dma_semaphore, #tpu.memory_space<semaphore_mem>>, %arg16: memref<!tpu.dma_semaphore, #tpu.memory_space<semaphore_mem>>, %arg17: memref<!tpu.dma_semaphore, #tpu.memory_space<semaphore_mem>>) attributes {dimension_semantics = [#tpu.dimension_semantics<core_parallel>, #tpu.dimension_semantics<subcore_parallel>], iteration_bounds = array<i64: 2, 16>, scalar_prefetch = 0 : i64, scratch_operands = 12 : i64, tpu.core_type = #tpu.core_type<sc_vector_subcore>, window_params = [{transform_indices = #map}, {transform_indices = #map1}, {transform_indices = #map}, {transform_indices = #map2}]} {
    %mul3A = arith.constant 16 : i32
    %mul3A_0 = arith.muli %arg0, %mul3A : i32
    %add3A = arith.addi %mul3A_0, %arg1 : i32
    %mul3A_1 = arith.constant 632 : i32
    %mul3A_2 = arith.muli %arg1, %mul3A_1 : i32
    "tpu.region"() ({
      %run_scoped3A = tpu.sem_alloc : memref<!tpu.dma_semaphore, #tpu.memory_space<semaphore_mem>>
      %dma_start3A_417 = arith.constant 0 : i32
      %dma_start3A_418 = tpu.memref_slice %arg13[%mul3A_2, %dma_start3A_417] : memref<10112x128xf32, #tpu.memory_space<vmem_shared>> -> memref<632x128xf32, #tpu.memory_space<vmem_shared>>
      %dma_start3A_419 = arith.constant 0 : i32
      %dma_start3A_420 = tpu.memref_slice %arg4[%mul3A_2, %dma_start3A_419] : memref<10112x128xf32, #tpu.memory_space<hbm>> -> memref<632x128xf32, #tpu.memory_space<hbm>>
      tpu.enqueue_dma source(%dma_start3A_420 : memref<632x128xf32, #tpu.memory_space<hbm>>) target(%dma_start3A_418 : memref<632x128xf32, #tpu.memory_space<vmem_shared>>) target_semaphore(%run_scoped3A : memref<!tpu.dma_semaphore, #tpu.memory_space<semaphore_mem>>)
      %dma_wait3A = arith.constant 0 : i32
      %dma_wait3A_421 = tpu.memref_slice %arg13[%mul3A_2, %dma_wait3A] : memref<10112x128xf32, #tpu.memory_space<vmem_shared>> -> memref<632x128xf32, #tpu.memory_space<vmem_shared>>
      %dma_wait3A_422 = arith.constant 0 : i32
      %dma_wait3A_423 = tpu.memref_slice %arg4[%mul3A_2, %dma_wait3A_422] : memref<10112x128xf32, #tpu.memory_space<hbm>> -> memref<632x128xf32, #tpu.memory_space<hbm>>
      tpu.wait_dma2 semaphore(%run_scoped3A : memref<!tpu.dma_semaphore, #tpu.memory_space<semaphore_mem>>) src(%dma_wait3A_423 : memref<632x128xf32, #tpu.memory_space<hbm>>) dst(%dma_wait3A_421 : memref<632x128xf32, #tpu.memory_space<vmem_shared>>)
      tpu.yield
    }) : () -> ()
    "tpu.region"() ({
      %run_scoped3A = tpu.sem_alloc : memref<!tpu.dma_semaphore, #tpu.memory_space<semaphore_mem>>
      %dma_start3A_417 = arith.constant 0 : i32
      %dma_start3A_418 = arith.constant 0 : i32
      %dma_start3A_419 = arith.constant 0 : i32
      %dma_start3A_420 = tpu.memref_slice %arg3[%add3A, %dma_start3A_417, %dma_start3A_418, %dma_start3A_419] : memref<32x80x1x128xi32, #tpu.memory_space<hbm>> -> memref<1x80x1x128xi32, #tpu.memory_space<hbm>>
      %dma_start3A_421 = tpu.memref_squeeze %dma_start3A_420 : memref<1x80x1x128xi32, #tpu.memory_space<hbm>> -> memref<80x1x128xi32, #tpu.memory_space<hbm>>
      %dma_start3A_422 = arith.constant 0 : i32
      %dma_start3A_423 = arith.constant 0 : i32
      %dma_start3A_424 = arith.constant 0 : i32
      %dma_start3A_425 = tpu.memref_slice %arg3[%add3A, %dma_start3A_422, %dma_start3A_423, %dma_start3A_424] : memref<32x80x1x128xi32, #tpu.memory_space<hbm>> -> memref<1x80x1x128xi32, #tpu.memory_space<hbm>>
      %dma_start3A_426 = tpu.memref_squeeze %dma_start3A_425 : memref<1x80x1x128xi32, #tpu.memory_space<hbm>> -> memref<80x1x128xi32, #tpu.memory_space<hbm>>
      tpu.enqueue_dma source(%dma_start3A_426 : memref<80x1x128xi32, #tpu.memory_space<hbm>>) target(%arg6 : memref<80x1x128xi32, #tpu.memory_space<vmem>>) target_semaphore(%run_scoped3A : memref<!tpu.dma_semaphore, #tpu.memory_space<semaphore_mem>>)
      %dma_wait3A = arith.constant 0 : i32
      %dma_wait3A_427 = arith.constant 0 : i32
      %dma_wait3A_428 = arith.constant 0 : i32
      %dma_wait3A_429 = tpu.memref_slice %arg3[%add3A, %dma_wait3A, %dma_wait3A_427, %dma_wait3A_428] : memref<32x80x1x128xi32, #tpu.memory_space<hbm>> -> memref<1x80x1x128xi32, #tpu.memory_space<hbm>>
      %dma_wait3A_430 = tpu.memref_squeeze %dma_wait3A_429 : memref<1x80x1x128xi32, #tpu.memory_space<hbm>> -> memref<80x1x128xi32, #tpu.memory_space<hbm>>
      %dma_wait3A_431 = arith.constant 0 : i32
      %dma_wait3A_432 = arith.constant 0 : i32
      %dma_wait3A_433 = arith.constant 0 : i32
      %dma_wait3A_434 = tpu.memref_slice %arg3[%add3A, %dma_wait3A_431, %dma_wait3A_432, %dma_wait3A_433] : memref<32x80x1x128xi32, #tpu.memory_space<hbm>> -> memref<1x80x1x128xi32, #tpu.memory_space<hbm>>
      %dma_wait3A_435 = tpu.memref_squeeze %dma_wait3A_434 : memref<1x80x1x128xi32, #tpu.memory_space<hbm>> -> memref<80x1x128xi32, #tpu.memory_space<hbm>>
      tpu.wait_dma2 semaphore(%run_scoped3A : memref<!tpu.dma_semaphore, #tpu.memory_space<semaphore_mem>>) src(%dma_wait3A_435 : memref<80x1x128xi32, #tpu.memory_space<hbm>>) dst(%arg6 : memref<80x1x128xi32, #tpu.memory_space<vmem>>)
      tpu.yield
    }) : () -> ()
    %barrier3A = arith.constant 0 : index
    tpu.barrier barrier_id(%barrier3A)
    %get3A = arith.constant 0 : i32
    %get3A_3 = arith.constant 0 : i32
    %get3A_4 = arith.index_cast %get3A : i32 to index
    %get3A_5 = arith.index_cast %get3A_3 : i32 to index
    %get3A_6 = arith.constant 0 : index
    %get3A_7 = tpu.vector_load %arg6[%get3A_4, %get3A_5, %get3A_6] {strides = array<i32>} : memref<80x1x128xi32, #tpu.memory_space<vmem>>, vector<1x1x16xi32>,
    %get3A_8 = vector.shape_cast %get3A_7 : vector<1x1x16xi32> to vector<16xi32>
    %and3A = arith.constant 65535 : i32
    %and3A_9 = vector.broadcast %and3A : i32 to vector<16xi32>
    %and3A_10 = arith.andi %get3A_8, %and3A_9 : vector<16xi32>
    %swap3A = arith.constant 0 : i32
    %swap3A_11 = arith.index_cast %swap3A : i32 to index
    %swap3A_12 = arith.constant 0 : index
    %swap3A_13 = tpu.vector_load %arg7[%swap3A_11, %swap3A_12] {strides = array<i32>} : memref<1x128xi32, #tpu.memory_space<vmem>>, vector<1x16xi32>,
    %swap3A_14 = vector.shape_cast %swap3A_13 : vector<1x16xi32> to vector<16xi32>
    %swap3A_15 = vector.shape_cast %and3A_10 : vector<16xi32> to vector<1x16xi32>
    tpu.vector_store %arg7[%swap3A_11, %swap3A_12], %swap3A_15 {strides = array<i32>} : memref<1x128xi32, #tpu.memory_space<vmem>>, vector<1x16xi32>,
    %shift_right_arithmetic3A = arith.constant 16 : i32
    %shift_right_arithmetic3A_16 = vector.broadcast %shift_right_arithmetic3A : i32 to vector<16xi32>
    %shift_right_arithmetic3A_17 = arith.shrsi %get3A_8, %shift_right_arithmetic3A_16 : vector<16xi32>
    %swap3A_18 = arith.constant 0 : i32
    %swap3A_19 = arith.index_cast %swap3A_18 : i32 to index
    %swap3A_20 = arith.constant 0 : index
    %swap3A_21 = tpu.vector_load %arg9[%swap3A_19, %swap3A_20] {strides = array<i32>} : memref<1x128xi32, #tpu.memory_space<vmem>>, vector<1x16xi32>,
    %swap3A_22 = vector.shape_cast %swap3A_21 : vector<1x16xi32> to vector<16xi32>
    %swap3A_23 = vector.shape_cast %shift_right_arithmetic3A_17 : vector<16xi32> to vector<1x16xi32>
    tpu.vector_store %arg9[%swap3A_19, %swap3A_20], %swap3A_23 {strides = array<i32>} : memref<1x128xi32, #tpu.memory_space<vmem>>, vector<1x16xi32>,
    %get3A_24 = arith.constant 0 : i32
    %get3A_25 = arith.constant 0 : i32
    %get3A_26 = arith.index_cast %get3A_24 : i32 to index
    %get3A_27 = arith.index_cast %get3A_25 : i32 to index
    %get3A_28 = arith.constant 16 : index
    %get3A_29 = tpu.vector_load %arg6[%get3A_26, %get3A_27, %get3A_28] {strides = array<i32>} : memref<80x1x128xi32, #tpu.memory_space<vmem>>, vector<1x1x16xi32>,
    %get3A_30 = vector.shape_cast %get3A_29 : vector<1x1x16xi32> to vector<16xi32>
    %and3A_31 = arith.constant 65535 : i32
    %and3A_32 = vector.broadcast %and3A_31 : i32 to vector<16xi32>
    %and3A_33 = arith.andi %get3A_30, %and3A_32 : vector<16xi32>
    %swap3A_34 = arith.constant 0 : i32
    %swap3A_35 = arith.index_cast %swap3A_34 : i32 to index
    %swap3A_36 = arith.constant 16 : index
    %swap3A_37 = tpu.vector_load %arg7[%swap3A_35, %swap3A_36] {strides = array<i32>} : memref<1x128xi32, #tpu.memory_space<vmem>>, vector<1x16xi32>,
    %swap3A_38 = vector.shape_cast %swap3A_37 : vector<1x16xi32> to vector<16xi32>
    %swap3A_39 = vector.shape_cast %and3A_33 : vector<16xi32> to vector<1x16xi32>
    tpu.vector_store %arg7[%swap3A_35, %swap3A_36], %swap3A_39 {strides = array<i32>} : memref<1x128xi32, #tpu.memory_space<vmem>>, vector<1x16xi32>,
    %shift_right_arithmetic3A_40 = arith.constant 16 : i32
    %shift_right_arithmetic3A_41 = vector.broadcast %shift_right_arithmetic3A_40 : i32 to vector<16xi32>
    %shift_right_arithmetic3A_42 = arith.shrsi %get3A_30, %shift_right_arithmetic3A_41 : vector<16xi32>
    %swap3A_43 = arith.constant 0 : i32
    %swap3A_44 = arith.index_cast %swap3A_43 : i32 to index
    %swap3A_45 = arith.constant 16 : index
    %swap3A_46 = tpu.vector_load %arg9[%swap3A_44, %swap3A_45] {strides = array<i32>} : memref<1x128xi32, #tpu.memory_space<vmem>>, vector<1x16xi32>,
    %swap3A_47 = vector.shape_cast %swap3A_46 : vector<1x16xi32> to vector<16xi32>
    %swap3A_48 = vector.shape_cast %shift_right_arithmetic3A_42 : vector<16xi32> to vector<1x16xi32>
    tpu.vector_store %arg9[%swap3A_44, %swap3A_45], %swap3A_48 {strides = array<i32>} : memref<1x128xi32, #tpu.memory_space<vmem>>, vector<1x16xi32>,
    %get3A_49 = arith.constant 0 : i32
    %get3A_50 = arith.constant 0 : i32
    %get3A_51 = arith.index_cast %get3A_49 : i32 to index
    %get3A_52 = arith.index_cast %get3A_50 : i32 to index
    %get3A_53 = arith.constant 32 : index
    %get3A_54 = tpu.vector_load %arg6[%get3A_51, %get3A_52, %get3A_53] {strides = array<i32>} : memref<80x1x128xi32, #tpu.memory_space<vmem>>, vector<1x1x16xi32>,
    %get3A_55 = vector.shape_cast %get3A_54 : vector<1x1x16xi32> to vector<16xi32>
    %and3A_56 = arith.constant 65535 : i32
    %and3A_57 = vector.broadcast %and3A_56 : i32 to vector<16xi32>
    %and3A_58 = arith.andi %get3A_55, %and3A_57 : vector<16xi32>
    %swap3A_59 = arith.constant 0 : i32
    %swap3A_60 = arith.index_cast %swap3A_59 : i32 to index
    %swap3A_61 = arith.constant 32 : index
    %swap3A_62 = tpu.vector_load %arg7[%swap3A_60, %swap3A_61] {strides = array<i32>} : memref<1x128xi32, #tpu.memory_space<vmem>>, vector<1x16xi32>,
    %swap3A_63 = vector.shape_cast %swap3A_62 : vector<1x16xi32> to vector<16xi32>
    %swap3A_64 = vector.shape_cast %and3A_58 : vector<16xi32> to vector<1x16xi32>
    tpu.vector_store %arg7[%swap3A_60, %swap3A_61], %swap3A_64 {strides = array<i32>} : memref<1x128xi32, #tpu.memory_space<vmem>>, vector<1x16xi32>,
    %shift_right_arithmetic3A_65 = arith.constant 16 : i32
    %shift_right_arithmetic3A_66 = vector.broadcast %shift_right_arithmetic3A_65 : i32 to vector<16xi32>
    %shift_right_arithmetic3A_67 = arith.shrsi %get3A_55, %shift_right_arithmetic3A_66 : vector<16xi32>
    %swap3A_68 = arith.constant 0 : i32
    %swap3A_69 = arith.index_cast %swap3A_68 : i32 to index
    %swap3A_70 = arith.constant 32 : index
    %swap3A_71 = tpu.vector_load %arg9[%swap3A_69, %swap3A_70] {strides = array<i32>} : memref<1x128xi32, #tpu.memory_space<vmem>>, vector<1x16xi32>,
    %swap3A_72 = vector.shape_cast %swap3A_71 : vector<1x16xi32> to vector<16xi32>
    %swap3A_73 = vector.shape_cast %shift_right_arithmetic3A_67 : vector<16xi32> to vector<1x16xi32>
    tpu.vector_store %arg9[%swap3A_69, %swap3A_70], %swap3A_73 {strides = array<i32>} : memref<1x128xi32, #tpu.memory_space<vmem>>, vector<1x16xi32>,
    %get3A_74 = arith.constant 0 : i32
    %get3A_75 = arith.constant 0 : i32
    %get3A_76 = arith.index_cast %get3A_74 : i32 to index
    %get3A_77 = arith.index_cast %get3A_75 : i32 to index
    %get3A_78 = arith.constant 48 : index
    %get3A_79 = tpu.vector_load %arg6[%get3A_76, %get3A_77, %get3A_78] {strides = array<i32>} : memref<80x1x128xi32, #tpu.memory_space<vmem>>, vector<1x1x16xi32>,
    %get3A_80 = vector.shape_cast %get3A_79 : vector<1x1x16xi32> to vector<16xi32>
    %and3A_81 = arith.constant 65535 : i32
    %and3A_82 = vector.broadcast %and3A_81 : i32 to vector<16xi32>
    %and3A_83 = arith.andi %get3A_80, %and3A_82 : vector<16xi32>
    %swap3A_84 = arith.constant 0 : i32
    %swap3A_85 = arith.index_cast %swap3A_84 : i32 to index
    %swap3A_86 = arith.constant 48 : index
    %swap3A_87 = tpu.vector_load %arg7[%swap3A_85, %swap3A_86] {strides = array<i32>} : memref<1x128xi32, #tpu.memory_space<vmem>>, vector<1x16xi32>,
    %swap3A_88 = vector.shape_cast %swap3A_87 : vector<1x16xi32> to vector<16xi32>
    %swap3A_89 = vector.shape_cast %and3A_83 : vector<16xi32> to vector<1x16xi32>
    tpu.vector_store %arg7[%swap3A_85, %swap3A_86], %swap3A_89 {strides = array<i32>} : memref<1x128xi32, #tpu.memory_space<vmem>>, vector<1x16xi32>,
    %shift_right_arithmetic3A_90 = arith.constant 16 : i32
    %shift_right_arithmetic3A_91 = vector.broadcast %shift_right_arithmetic3A_90 : i32 to vector<16xi32>
    %shift_right_arithmetic3A_92 = arith.shrsi %get3A_80, %shift_right_arithmetic3A_91 : vector<16xi32>
    %swap3A_93 = arith.constant 0 : i32
    %swap3A_94 = arith.index_cast %swap3A_93 : i32 to index
    %swap3A_95 = arith.constant 48 : index
    %swap3A_96 = tpu.vector_load %arg9[%swap3A_94, %swap3A_95] {strides = array<i32>} : memref<1x128xi32, #tpu.memory_space<vmem>>, vector<1x16xi32>,
    %swap3A_97 = vector.shape_cast %swap3A_96 : vector<1x16xi32> to vector<16xi32>
    %swap3A_98 = vector.shape_cast %shift_right_arithmetic3A_92 : vector<16xi32> to vector<1x16xi32>
    tpu.vector_store %arg9[%swap3A_94, %swap3A_95], %swap3A_98 {strides = array<i32>} : memref<1x128xi32, #tpu.memory_space<vmem>>, vector<1x16xi32>,
    %get3A_99 = arith.constant 0 : i32
    %get3A_100 = arith.constant 0 : i32
    %get3A_101 = arith.index_cast %get3A_99 : i32 to index
    %get3A_102 = arith.index_cast %get3A_100 : i32 to index
    %get3A_103 = arith.constant 64 : index
    %get3A_104 = tpu.vector_load %arg6[%get3A_101, %get3A_102, %get3A_103] {strides = array<i32>} : memref<80x1x128xi32, #tpu.memory_space<vmem>>, vector<1x1x16xi32>,
    %get3A_105 = vector.shape_cast %get3A_104 : vector<1x1x16xi32> to vector<16xi32>
    %and3A_106 = arith.constant 65535 : i32
    %and3A_107 = vector.broadcast %and3A_106 : i32 to vector<16xi32>
    %and3A_108 = arith.andi %get3A_105, %and3A_107 : vector<16xi32>
    %swap3A_109 = arith.constant 0 : i32
    %swap3A_110 = arith.index_cast %swap3A_109 : i32 to index
    %swap3A_111 = arith.constant 64 : index
    %swap3A_112 = tpu.vector_load %arg7[%swap3A_110, %swap3A_111] {strides = array<i32>} : memref<1x128xi32, #tpu.memory_space<vmem>>, vector<1x16xi32>,
    %swap3A_113 = vector.shape_cast %swap3A_112 : vector<1x16xi32> to vector<16xi32>
    %swap3A_114 = vector.shape_cast %and3A_108 : vector<16xi32> to vector<1x16xi32>
    tpu.vector_store %arg7[%swap3A_110, %swap3A_111], %swap3A_114 {strides = array<i32>} : memref<1x128xi32, #tpu.memory_space<vmem>>, vector<1x16xi32>,
    %shift_right_arithmetic3A_115 = arith.constant 16 : i32
    %shift_right_arithmetic3A_116 = vector.broadcast %shift_right_arithmetic3A_115 : i32 to vector<16xi32>
    %shift_right_arithmetic3A_117 = arith.shrsi %get3A_105, %shift_right_arithmetic3A_116 : vector<16xi32>
    %swap3A_118 = arith.constant 0 : i32
    %swap3A_119 = arith.index_cast %swap3A_118 : i32 to index
    %swap3A_120 = arith.constant 64 : index
    %swap3A_121 = tpu.vector_load %arg9[%swap3A_119, %swap3A_120] {strides = array<i32>} : memref<1x128xi32, #tpu.memory_space<vmem>>, vector<1x16xi32>,
    %swap3A_122 = vector.shape_cast %swap3A_121 : vector<1x16xi32> to vector<16xi32>
    %swap3A_123 = vector.shape_cast %shift_right_arithmetic3A_117 : vector<16xi32> to vector<1x16xi32>
    tpu.vector_store %arg9[%swap3A_119, %swap3A_120], %swap3A_123 {strides = array<i32>} : memref<1x128xi32, #tpu.memory_space<vmem>>, vector<1x16xi32>,
    %get3A_124 = arith.constant 0 : i32
    %get3A_125 = arith.constant 0 : i32
    %get3A_126 = arith.index_cast %get3A_124 : i32 to index
    %get3A_127 = arith.index_cast %get3A_125 : i32 to index
    %get3A_128 = arith.constant 80 : index
    %get3A_129 = tpu.vector_load %arg6[%get3A_126, %get3A_127, %get3A_128] {strides = array<i32>} : memref<80x1x128xi32, #tpu.memory_space<vmem>>, vector<1x1x16xi32>,
    %get3A_130 = vector.shape_cast %get3A_129 : vector<1x1x16xi32> to vector<16xi32>
    %and3A_131 = arith.constant 65535 : i32
    %and3A_132 = vector.broadcast %and3A_131 : i32 to vector<16xi32>
    %and3A_133 = arith.andi %get3A_130, %and3A_132 : vector<16xi32>
    %swap3A_134 = arith.constant 0 : i32
    %swap3A_135 = arith.index_cast %swap3A_134 : i32 to index
    %swap3A_136 = arith.constant 80 : index
    %swap3A_137 = tpu.vector_load %arg7[%swap3A_135, %swap3A_136] {strides = array<i32>} : memref<1x128xi32, #tpu.memory_space<vmem>>, vector<1x16xi32>,
    %swap3A_138 = vector.shape_cast %swap3A_137 : vector<1x16xi32> to vector<16xi32>
    %swap3A_139 = vector.shape_cast %and3A_133 : vector<16xi32> to vector<1x16xi32>
    tpu.vector_store %arg7[%swap3A_135, %swap3A_136], %swap3A_139 {strides = array<i32>} : memref<1x128xi32, #tpu.memory_space<vmem>>, vector<1x16xi32>,
    %shift_right_arithmetic3A_140 = arith.constant 16 : i32
    %shift_right_arithmetic3A_141 = vector.broadcast %shift_right_arithmetic3A_140 : i32 to vector<16xi32>
    %shift_right_arithmetic3A_142 = arith.shrsi %get3A_130, %shift_right_arithmetic3A_141 : vector<16xi32>
    %swap3A_143 = arith.constant 0 : i32
    %swap3A_144 = arith.index_cast %swap3A_143 : i32 to index
    %swap3A_145 = arith.constant 80 : index
    %swap3A_146 = tpu.vector_load %arg9[%swap3A_144, %swap3A_145] {strides = array<i32>} : memref<1x128xi32, #tpu.memory_space<vmem>>, vector<1x16xi32>,
    %swap3A_147 = vector.shape_cast %swap3A_146 : vector<1x16xi32> to vector<16xi32>
    %swap3A_148 = vector.shape_cast %shift_right_arithmetic3A_142 : vector<16xi32> to vector<1x16xi32>
    tpu.vector_store %arg9[%swap3A_144, %swap3A_145], %swap3A_148 {strides = array<i32>} : memref<1x128xi32, #tpu.memory_space<vmem>>, vector<1x16xi32>,
    %get3A_149 = arith.constant 0 : i32
    %get3A_150 = arith.constant 0 : i32
    %get3A_151 = arith.index_cast %get3A_149 : i32 to index
    %get3A_152 = arith.index_cast %get3A_150 : i32 to index
    %get3A_153 = arith.constant 96 : index
    %get3A_154 = tpu.vector_load %arg6[%get3A_151, %get3A_152, %get3A_153] {strides = array<i32>} : memref<80x1x128xi32, #tpu.memory_space<vmem>>, vector<1x1x16xi32>,
    %get3A_155 = vector.shape_cast %get3A_154 : vector<1x1x16xi32> to vector<16xi32>
    %and3A_156 = arith.constant 65535 : i32
    %and3A_157 = vector.broadcast %and3A_156 : i32 to vector<16xi32>
    %and3A_158 = arith.andi %get3A_155, %and3A_157 : vector<16xi32>
    %swap3A_159 = arith.constant 0 : i32
    %swap3A_160 = arith.index_cast %swap3A_159 : i32 to index
    %swap3A_161 = arith.constant 96 : index
    %swap3A_162 = tpu.vector_load %arg7[%swap3A_160, %swap3A_161] {strides = array<i32>} : memref<1x128xi32, #tpu.memory_space<vmem>>, vector<1x16xi32>,
    %swap3A_163 = vector.shape_cast %swap3A_162 : vector<1x16xi32> to vector<16xi32>
    %swap3A_164 = vector.shape_cast %and3A_158 : vector<16xi32> to vector<1x16xi32>
    tpu.vector_store %arg7[%swap3A_160, %swap3A_161], %swap3A_164 {strides = array<i32>} : memref<1x128xi32, #tpu.memory_space<vmem>>, vector<1x16xi32>,
    %shift_right_arithmetic3A_165 = arith.constant 16 : i32
    %shift_right_arithmetic3A_166 = vector.broadcast %shift_right_arithmetic3A_165 : i32 to vector<16xi32>
    %shift_right_arithmetic3A_167 = arith.shrsi %get3A_155, %shift_right_arithmetic3A_166 : vector<16xi32>
    %swap3A_168 = arith.constant 0 : i32
    %swap3A_169 = arith.index_cast %swap3A_168 : i32 to index
    %swap3A_170 = arith.constant 96 : index
    %swap3A_171 = tpu.vector_load %arg9[%swap3A_169, %swap3A_170] {strides = array<i32>} : memref<1x128xi32, #tpu.memory_space<vmem>>, vector<1x16xi32>,
    %swap3A_172 = vector.shape_cast %swap3A_171 : vector<1x16xi32> to vector<16xi32>
    %swap3A_173 = vector.shape_cast %shift_right_arithmetic3A_167 : vector<16xi32> to vector<1x16xi32>
    tpu.vector_store %arg9[%swap3A_169, %swap3A_170], %swap3A_173 {strides = array<i32>} : memref<1x128xi32, #tpu.memory_space<vmem>>, vector<1x16xi32>,
    %get3A_174 = arith.constant 0 : i32
    %get3A_175 = arith.constant 0 : i32
    %get3A_176 = arith.index_cast %get3A_174 : i32 to index
    %get3A_177 = arith.index_cast %get3A_175 : i32 to index
    %get3A_178 = arith.constant 112 : index
    %get3A_179 = tpu.vector_load %arg6[%get3A_176, %get3A_177, %get3A_178] {strides = array<i32>} : memref<80x1x128xi32, #tpu.memory_space<vmem>>, vector<1x1x16xi32>,
    %get3A_180 = vector.shape_cast %get3A_179 : vector<1x1x16xi32> to vector<16xi32>
    %and3A_181 = arith.constant 65535 : i32
    %and3A_182 = vector.broadcast %and3A_181 : i32 to vector<16xi32>
    %and3A_183 = arith.andi %get3A_180, %and3A_182 : vector<16xi32>
    %swap3A_184 = arith.constant 0 : i32
    %swap3A_185 = arith.index_cast %swap3A_184 : i32 to index
    %swap3A_186 = arith.constant 112 : index
    %swap3A_187 = tpu.vector_load %arg7[%swap3A_185, %swap3A_186] {strides = array<i32>} : memref<1x128xi32, #tpu.memory_space<vmem>>, vector<1x16xi32>,
    %swap3A_188 = vector.shape_cast %swap3A_187 : vector<1x16xi32> to vector<16xi32>
    %swap3A_189 = vector.shape_cast %and3A_183 : vector<16xi32> to vector<1x16xi32>
    tpu.vector_store %arg7[%swap3A_185, %swap3A_186], %swap3A_189 {strides = array<i32>} : memref<1x128xi32, #tpu.memory_space<vmem>>, vector<1x16xi32>,
    %shift_right_arithmetic3A_190 = arith.constant 16 : i32
    %shift_right_arithmetic3A_191 = vector.broadcast %shift_right_arithmetic3A_190 : i32 to vector<16xi32>
    %shift_right_arithmetic3A_192 = arith.shrsi %get3A_180, %shift_right_arithmetic3A_191 : vector<16xi32>
    %swap3A_193 = arith.constant 0 : i32
    %swap3A_194 = arith.index_cast %swap3A_193 : i32 to index
    %swap3A_195 = arith.constant 112 : index
    %swap3A_196 = tpu.vector_load %arg9[%swap3A_194, %swap3A_195] {strides = array<i32>} : memref<1x128xi32, #tpu.memory_space<vmem>>, vector<1x16xi32>,
    %swap3A_197 = vector.shape_cast %swap3A_196 : vector<1x16xi32> to vector<16xi32>
    %swap3A_198 = vector.shape_cast %shift_right_arithmetic3A_192 : vector<16xi32> to vector<1x16xi32>
    tpu.vector_store %arg9[%swap3A_194, %swap3A_195], %swap3A_198 {strides = array<i32>} : memref<1x128xi32, #tpu.memory_space<vmem>>, vector<1x16xi32>,
    %dma_start3A = arith.constant 0 : i32
    %dma_start3A_199 = arith.constant 0 : i32
    %dma_start3A_200 = tpu.memref_slice %arg7[%dma_start3A, %dma_start3A_199] : memref<1x128xi32, #tpu.memory_space<vmem>> -> memref<1x128xi32, #tpu.memory_space<vmem>>
    %dma_start3A_201 = tpu.memref_squeeze %dma_start3A_200 : memref<1x128xi32, #tpu.memory_space<vmem>> -> memref<128xi32, #tpu.memory_space<vmem>>
    %dma_start3A_202 = arith.constant 0 : i32
    %dma_start3A_203 = arith.constant 0 : i32
    %dma_start3A_204 = tpu.memref_slice %arg2[%dma_start3A_202, %dma_start3A_203] : memref<10000x128xf32, #tpu.memory_space<hbm>> -> memref<10000x128xf32, #tpu.memory_space<hbm>>
    tpu.enqueue_indirect_dma source(%dma_start3A_204 : memref<10000x128xf32, #tpu.memory_space<hbm>>) target(%arg11 : memref<128x128xf32, #tpu.memory_space<vmem>>) offsets(%dma_start3A_201 : memref<128xi32, #tpu.memory_space<vmem>>) semaphore(%arg14 : memref<!tpu.dma_semaphore, #tpu.memory_space<semaphore_mem>>)
    %get3A_205 = arith.constant 1 : i32
    %get3A_206 = arith.constant 0 : i32
    %get3A_207 = arith.index_cast %get3A_205 : i32 to index
    %get3A_208 = arith.index_cast %get3A_206 : i32 to index
    %get3A_209 = arith.constant 0 : index
    %get3A_210 = tpu.vector_load %arg6[%get3A_207, %get3A_208, %get3A_209] {strides = array<i32>} : memref<80x1x128xi32, #tpu.memory_space<vmem>>, vector<1x1x16xi32>,
    %get3A_211 = vector.shape_cast %get3A_210 : vector<1x1x16xi32> to vector<16xi32>
    %and3A_212 = arith.constant 65535 : i32
    %and3A_213 = vector.broadcast %and3A_212 : i32 to vector<16xi32>
    %and3A_214 = arith.andi %get3A_211, %and3A_213 : vector<16xi32>
    %swap3A_215 = arith.constant 0 : i32
    %swap3A_216 = arith.index_cast %swap3A_215 : i32 to index
    %swap3A_217 = arith.constant 0 : index
    %swap3A_218 = tpu.vector_load %arg8[%swap3A_216, %swap3A_217] {strides = array<i32>} : memref<1x128xi32, #tpu.memory_space<vmem>>, vector<1x16xi32>,
    %swap3A_219 = vector.shape_cast %swap3A_218 : vector<1x16xi32> to vector<16xi32>
    %swap3A_220 = vector.shape_cast %and3A_214 : vector<16xi32> to vector<1x16xi32>
    tpu.vector_store %arg8[%swap3A_216, %swap3A_217], %swap3A_220 {strides = array<i32>} : memref<1x128xi32, #tpu.memory_space<vmem>>, vector<1x16xi32>,
    %shift_right_arithmetic3A_221 = arith.constant 16 : i32
    %shift_right_arithmetic3A_222 = vector.broadcast %shift_right_arithmetic3A_221 : i32 to vector<16xi32>
    %shift_right_arithmetic3A_223 = arith.shrsi %get3A_211, %shift_right_arithmetic3A_222 : vector<16xi32>
    %swap3A_224 = arith.constant 0 : i32
    %swap3A_225 = arith.index_cast %swap3A_224 : i32 to index
    %swap3A_226 = arith.constant 0 : index
    %swap3A_227 = tpu.vector_load %arg10[%swap3A_225, %swap3A_226] {strides = array<i32>} : memref<1x128xi32, #tpu.memory_space<vmem>>, vector<1x16xi32>,
    %swap3A_228 = vector.shape_cast %swap3A_227 : vector<1x16xi32> to vector<16xi32>
    %swap3A_229 = vector.shape_cast %shift_right_arithmetic3A_223 : vector<16xi32> to vector<1x16xi32>
    tpu.vector_store %arg10[%swap3A_225, %swap3A_226], %swap3A_229 {strides = array<i32>} : memref<1x128xi32, #tpu.memory_space<vmem>>, vector<1x16xi32>,
    %get3A_230 = arith.constant 1 : i32
    %get3A_231 = arith.constant 0 : i32
    %get3A_232 = arith.index_cast %get3A_230 : i32 to index
    %get3A_233 = arith.index_cast %get3A_231 : i32 to index
    %get3A_234 = arith.constant 16 : index
    %get3A_235 = tpu.vector_load %arg6[%get3A_232, %get3A_233, %get3A_234] {strides = array<i32>} : memref<80x1x128xi32, #tpu.memory_space<vmem>>, vector<1x1x16xi32>,
    %get3A_236 = vector.shape_cast %get3A_235 : vector<1x1x16xi32> to vector<16xi32>
    %and3A_237 = arith.constant 65535 : i32
    %and3A_238 = vector.broadcast %and3A_237 : i32 to vector<16xi32>
    %and3A_239 = arith.andi %get3A_236, %and3A_238 : vector<16xi32>
    %swap3A_240 = arith.constant 0 : i32
    %swap3A_241 = arith.index_cast %swap3A_240 : i32 to index
    %swap3A_242 = arith.constant 16 : index
    %swap3A_243 = tpu.vector_load %arg8[%swap3A_241, %swap3A_242] {strides = array<i32>} : memref<1x128xi32, #tpu.memory_space<vmem>>, vector<1x16xi32>,
    %swap3A_244 = vector.shape_cast %swap3A_243 : vector<1x16xi32> to vector<16xi32>
    %swap3A_245 = vector.shape_cast %and3A_239 : vector<16xi32> to vector<1x16xi32>
    tpu.vector_store %arg8[%swap3A_241, %swap3A_242], %swap3A_245 {strides = array<i32>} : memref<1x128xi32, #tpu.memory_space<vmem>>, vector<1x16xi32>,
    %shift_right_arithmetic3A_246 = arith.constant 16 : i32
    %shift_right_arithmetic3A_247 = vector.broadcast %shift_right_arithmetic3A_246 : i32 to vector<16xi32>
    %shift_right_arithmetic3A_248 = arith.shrsi %get3A_236, %shift_right_arithmetic3A_247 : vector<16xi32>
    %swap3A_249 = arith.constant 0 : i32
    %swap3A_250 = arith.index_cast %swap3A_249 : i32 to index
    %swap3A_251 = arith.constant 16 : index
    %swap3A_252 = tpu.vector_load %arg10[%swap3A_250, %swap3A_251] {strides = array<i32>} : memref<1x128xi32, #tpu.memory_space<vmem>>, vector<1x16xi32>,
    %swap3A_253 = vector.shape_cast %swap3A_252 : vector<1x16xi32> to vector<16xi32>
    %swap3A_254 = vector.shape_cast %shift_right_arithmetic3A_248 : vector<16xi32> to vector<1x16xi32>
    tpu.vector_store %arg10[%swap3A_250, %swap3A_251], %swap3A_254 {strides = array<i32>} : memref<1x128xi32, #tpu.memory_space<vmem>>, vector<1x16xi32>,
    %get3A_255 = arith.constant 1 : i32
    %get3A_256 = arith.constant 0 : i32
    %get3A_257 = arith.index_cast %get3A_255 : i32 to index
    %get3A_258 = arith.index_cast %get3A_256 : i32 to index
    %get3A_259 = arith.constant 32 : index
    %get3A_260 = tpu.vector_load %arg6[%get3A_257, %get3A_258, %get3A_259] {strides = array<i32>} : memref<80x1x128xi32, #tpu.memory_space<vmem>>, vector<1x1x16xi32>,
    %get3A_261 = vector.shape_cast %get3A_260 : vector<1x1x16xi32> to vector<16xi32>
    %and3A_262 = arith.constant 65535 : i32
    %and3A_263 = vector.broadcast %and3A_262 : i32 to vector<16xi32>
    %and3A_264 = arith.andi %get3A_261, %and3A_263 : vector<16xi32>
    %swap3A_265 = arith.constant 0 : i32
    %swap3A_266 = arith.index_cast %swap3A_265 : i32 to index
    %swap3A_267 = arith.constant 32 : index
    %swap3A_268 = tpu.vector_load %arg8[%swap3A_266, %swap3A_267] {strides = array<i32>} : memref<1x128xi32, #tpu.memory_space<vmem>>, vector<1x16xi32>,
    %swap3A_269 = vector.shape_cast %swap3A_268 : vector<1x16xi32> to vector<16xi32>
    %swap3A_270 = vector.shape_cast %and3A_264 : vector<16xi32> to vector<1x16xi32>
    tpu.vector_store %arg8[%swap3A_266, %swap3A_267], %swap3A_270 {strides = array<i32>} : memref<1x128xi32, #tpu.memory_space<vmem>>, vector<1x16xi32>,
    %shift_right_arithmetic3A_271 = arith.constant 16 : i32
    %shift_right_arithmetic3A_272 = vector.broadcast %shift_right_arithmetic3A_271 : i32 to vector<16xi32>
    %shift_right_arithmetic3A_273 = arith.shrsi %get3A_261, %shift_right_arithmetic3A_272 : vector<16xi32>
    %swap3A_274 = arith.constant 0 : i32
    %swap3A_275 = arith.index_cast %swap3A_274 : i32 to index
    %swap3A_276 = arith.constant 32 : index
    %swap3A_277 = tpu.vector_load %arg10[%swap3A_275, %swap3A_276] {strides = array<i32>} : memref<1x128xi32, #tpu.memory_space<vmem>>, vector<1x16xi32>,
    %swap3A_278 = vector.shape_cast %swap3A_277 : vector<1x16xi32> to vector<16xi32>
    %swap3A_279 = vector.shape_cast %shift_right_arithmetic3A_273 : vector<16xi32> to vector<1x16xi32>
    tpu.vector_store %arg10[%swap3A_275, %swap3A_276], %swap3A_279 {strides = array<i32>} : memref<1x128xi32, #tpu.memory_space<vmem>>, vector<1x16xi32>,
    %get3A_280 = arith.constant 1 : i32
    %get3A_281 = arith.constant 0 : i32
    %get3A_282 = arith.index_cast %get3A_280 : i32 to index
    %get3A_283 = arith.index_cast %get3A_281 : i32 to index
    %get3A_284 = arith.constant 48 : index
    %get3A_285 = tpu.vector_load %arg6[%get3A_282, %get3A_283, %get3A_284] {strides = array<i32>} : memref<80x1x128xi32, #tpu.memory_space<vmem>>, vector<1x1x16xi32>,
    %get3A_286 = vector.shape_cast %get3A_285 : vector<1x1x16xi32> to vector<16xi32>
    %and3A_287 = arith.constant 65535 : i32
    %and3A_288 = vector.broadcast %and3A_287 : i32 to vector<16xi32>
    %and3A_289 = arith.andi %get3A_286, %and3A_288 : vector<16xi32>
    %swap3A_290 = arith.constant 0 : i32
    %swap3A_291 = arith.index_cast %swap3A_290 : i32 to index
    %swap3A_292 = arith.constant 48 : index
    %swap3A_293 = tpu.vector_load %arg8[%swap3A_291, %swap3A_292] {strides = array<i32>} : memref<1x128xi32, #tpu.memory_space<vmem>>, vector<1x16xi32>,
    %swap3A_294 = vector.shape_cast %swap3A_293 : vector<1x16xi32> to vector<16xi32>
    %swap3A_295 = vector.shape_cast %and3A_289 : vector<16xi32> to vector<1x16xi32>
    tpu.vector_store %arg8[%swap3A_291, %swap3A_292], %swap3A_295 {strides = array<i32>} : memref<1x128xi32, #tpu.memory_space<vmem>>, vector<1x16xi32>,
    %shift_right_arithmetic3A_296 = arith.constant 16 : i32
    %shift_right_arithmetic3A_297 = vector.broadcast %shift_right_arithmetic3A_296 : i32 to vector<16xi32>
    %shift_right_arithmetic3A_298 = arith.shrsi %get3A_286, %shift_right_arithmetic3A_297 : vector<16xi32>
    %swap3A_299 = arith.constant 0 : i32
    %swap3A_300 = arith.index_cast %swap3A_299 : i32 to index
    %swap3A_301 = arith.constant 48 : index
    %swap3A_302 = tpu.vector_load %arg10[%swap3A_300, %swap3A_301] {strides = array<i32>} : memref<1x128xi32, #tpu.memory_space<vmem>>, vector<1x16xi32>,
    %swap3A_303 = vector.shape_cast %swap3A_302 : vector<1x16xi32> to vector<16xi32>
    %swap3A_304 = vector.shape_cast %shift_right_arithmetic3A_298 : vector<16xi32> to vector<1x16xi32>
    tpu.vector_store %arg10[%swap3A_300, %swap3A_301], %swap3A_304 {strides = array<i32>} : memref<1x128xi32, #tpu.memory_space<vmem>>, vector<1x16xi32>,
    %get3A_305 = arith.constant 1 : i32
    %get3A_306 = arith.constant 0 : i32
    %get3A_307 = arith.index_cast %get3A_305 : i32 to index
    %get3A_308 = arith.index_cast %get3A_306 : i32 to index
    %get3A_309 = arith.constant 64 : index
    %get3A_310 = tpu.vector_load %arg6[%get3A_307, %get3A_308, %get3A_309] {strides = array<i32>} : memref<80x1x128xi32, #tpu.memory_space<vmem>>, vector<1x1x16xi32>,
    %get3A_311 = vector.shape_cast %get3A_310 : vector<1x1x16xi32> to vector<16xi32>
    %and3A_312 = arith.constant 65535 : i32
    %and3A_313 = vector.broadcast %and3A_312 : i32 to vector<16xi32>
    %and3A_314 = arith.andi %get3A_311, %and3A_313 : vector<16xi32>
    %swap3A_315 = arith.constant 0 : i32
    %swap3A_316 = arith.index_cast %swap3A_315 : i32 to index
    %swap3A_317 = arith.constant 64 : index
    %swap3A_318 = tpu.vector_load %arg8[%swap3A_316, %swap3A_317] {strides = array<i32>} : memref<1x128xi32, #tpu.memory_space<vmem>>, vector<1x16xi32>,
    %swap3A_319 = vector.shape_cast %swap3A_318 : vector<1x16xi32> to vector<16xi32>
    %swap3A_320 = vector.shape_cast %and3A_314 : vector<16xi32> to vector<1x16xi32>
    tpu.vector_store %arg8[%swap3A_316, %swap3A_317], %swap3A_320 {strides = array<i32>} : memref<1x128xi32, #tpu.memory_space<vmem>>, vector<1x16xi32>,
    %shift_right_arithmetic3A_321 = arith.constant 16 : i32
    %shift_right_arithmetic3A_322 = vector.broadcast %shift_right_arithmetic3A_321 : i32 to vector<16xi32>
    %shift_right_arithmetic3A_323 = arith.shrsi %get3A_311, %shift_right_arithmetic3A_322 : vector<16xi32>
    %swap3A_324 = arith.constant 0 : i32
    %swap3A_325 = arith.index_cast %swap3A_324 : i32 to index
    %swap3A_326 = arith.constant 64 : index
    %swap3A_327 = tpu.vector_load %arg10[%swap3A_325, %swap3A_326] {strides = array<i32>} : memref<1x128xi32, #tpu.memory_space<vmem>>, vector<1x16xi32>,
    %swap3A_328 = vector.shape_cast %swap3A_327 : vector<1x16xi32> to vector<16xi32>
    %swap3A_329 = vector.shape_cast %shift_right_arithmetic3A_323 : vector<16xi32> to vector<1x16xi32>
    tpu.vector_store %arg10[%swap3A_325, %swap3A_326], %swap3A_329 {strides = array<i32>} : memref<1x128xi32, #tpu.memory_space<vmem>>, vector<1x16xi32>,
    %get3A_330 = arith.constant 1 : i32
    %get3A_331 = arith.constant 0 : i32
    %get3A_332 = arith.index_cast %get3A_330 : i32 to index
    %get3A_333 = arith.index_cast %get3A_331 : i32 to index
    %get3A_334 = arith.constant 80 : index
    %get3A_335 = tpu.vector_load %arg6[%get3A_332, %get3A_333, %get3A_334] {strides = array<i32>} : memref<80x1x128xi32, #tpu.memory_space<vmem>>, vector<1x1x16xi32>,
    %get3A_336 = vector.shape_cast %get3A_335 : vector<1x1x16xi32> to vector<16xi32>
    %and3A_337 = arith.constant 65535 : i32
    %and3A_338 = vector.broadcast %and3A_337 : i32 to vector<16xi32>
    %and3A_339 = arith.andi %get3A_336, %and3A_338 : vector<16xi32>
    %swap3A_340 = arith.constant 0 : i32
    %swap3A_341 = arith.index_cast %swap3A_340 : i32 to index
    %swap3A_342 = arith.constant 80 : index
    %swap3A_343 = tpu.vector_load %arg8[%swap3A_341, %swap3A_342] {strides = array<i32>} : memref<1x128xi32, #tpu.memory_space<vmem>>, vector<1x16xi32>,
    %swap3A_344 = vector.shape_cast %swap3A_343 : vector<1x16xi32> to vector<16xi32>
    %swap3A_345 = vector.shape_cast %and3A_339 : vector<16xi32> to vector<1x16xi32>
    tpu.vector_store %arg8[%swap3A_341, %swap3A_342], %swap3A_345 {strides = array<i32>} : memref<1x128xi32, #tpu.memory_space<vmem>>, vector<1x16xi32>,
    %shift_right_arithmetic3A_346 = arith.constant 16 : i32
    %shift_right_arithmetic3A_347 = vector.broadcast %shift_right_arithmetic3A_346 : i32 to vector<16xi32>
    %shift_right_arithmetic3A_348 = arith.shrsi %get3A_336, %shift_right_arithmetic3A_347 : vector<16xi32>
    %swap3A_349 = arith.constant 0 : i32
    %swap3A_350 = arith.index_cast %swap3A_349 : i32 to index
    %swap3A_351 = arith.constant 80 : index
    %swap3A_352 = tpu.vector_load %arg10[%swap3A_350, %swap3A_351] {strides = array<i32>} : memref<1x128xi32, #tpu.memory_space<vmem>>, vector<1x16xi32>,
    %swap3A_353 = vector.shape_cast %swap3A_352 : vector<1x16xi32> to vector<16xi32>
    %swap3A_354 = vector.shape_cast %shift_right_arithmetic3A_348 : vector<16xi32> to vector<1x16xi32>
    tpu.vector_store %arg10[%swap3A_350, %swap3A_351], %swap3A_354 {strides = array<i32>} : memref<1x128xi32, #tpu.memory_space<vmem>>, vector<1x16xi32>,
    %get3A_355 = arith.constant 1 : i32
    %get3A_356 = arith.constant 0 : i32
    %get3A_357 = arith.index_cast %get3A_355 : i32 to index
    %get3A_358 = arith.index_cast %get3A_356 : i32 to index
    %get3A_359 = arith.constant 96 : index
    %get3A_360 = tpu.vector_load %arg6[%get3A_357, %get3A_358, %get3A_359] {strides = array<i32>} : memref<80x1x128xi32, #tpu.memory_space<vmem>>, vector<1x1x16xi32>,
    %get3A_361 = vector.shape_cast %get3A_360 : vector<1x1x16xi32> to vector<16xi32>
    %and3A_362 = arith.constant 65535 : i32
    %and3A_363 = vector.broadcast %and3A_362 : i32 to vector<16xi32>
    %and3A_364 = arith.andi %get3A_361, %and3A_363 : vector<16xi32>
    %swap3A_365 = arith.constant 0 : i32
    %swap3A_366 = arith.index_cast %swap3A_365 : i32 to index
    %swap3A_367 = arith.constant 96 : index
    %swap3A_368 = tpu.vector_load %arg8[%swap3A_366, %swap3A_367] {strides = array<i32>} : memref<1x128xi32, #tpu.memory_space<vmem>>, vector<1x16xi32>,
    %swap3A_369 = vector.shape_cast %swap3A_368 : vector<1x16xi32> to vector<16xi32>
    %swap3A_370 = vector.shape_cast %and3A_364 : vector<16xi32> to vector<1x16xi32>
    tpu.vector_store %arg8[%swap3A_366, %swap3A_367], %swap3A_370 {strides = array<i32>} : memref<1x128xi32, #tpu.memory_space<vmem>>, vector<1x16xi32>,
    %shift_right_arithmetic3A_371 = arith.constant 16 : i32
    %shift_right_arithmetic3A_372 = vector.broadcast %shift_right_arithmetic3A_371 : i32 to vector<16xi32>
    %shift_right_arithmetic3A_373 = arith.shrsi %get3A_361, %shift_right_arithmetic3A_372 : vector<16xi32>
    %swap3A_374 = arith.constant 0 : i32
    %swap3A_375 = arith.index_cast %swap3A_374 : i32 to index
    %swap3A_376 = arith.constant 96 : index
    %swap3A_377 = tpu.vector_load %arg10[%swap3A_375, %swap3A_376] {strides = array<i32>} : memref<1x128xi32, #tpu.memory_space<vmem>>, vector<1x16xi32>,
    %swap3A_378 = vector.shape_cast %swap3A_377 : vector<1x16xi32> to vector<16xi32>
    %swap3A_379 = vector.shape_cast %shift_right_arithmetic3A_373 : vector<16xi32> to vector<1x16xi32>
    tpu.vector_store %arg10[%swap3A_375, %swap3A_376], %swap3A_379 {strides = array<i32>} : memref<1x128xi32, #tpu.memory_space<vmem>>, vector<1x16xi32>,
    %get3A_380 = arith.constant 1 : i32
    %get3A_381 = arith.constant 0 : i32
    %get3A_382 = arith.index_cast %get3A_380 : i32 to index
    %get3A_383 = arith.index_cast %get3A_381 : i32 to index
    %get3A_384 = arith.constant 112 : index
    %get3A_385 = tpu.vector_load %arg6[%get3A_382, %get3A_383, %get3A_384] {strides = array<i32>} : memref<80x1x128xi32, #tpu.memory_space<vmem>>, vector<1x1x16xi32>,
    %get3A_386 = vector.shape_cast %get3A_385 : vector<1x1x16xi32> to vector<16xi32>
    %and3A_387 = arith.constant 65535 : i32
    %and3A_388 = vector.broadcast %and3A_387 : i32 to vector<16xi32>
    %and3A_389 = arith.andi %get3A_386, %and3A_388 : vector<16xi32>
    %swap3A_390 = arith.constant 0 : i32
    %swap3A_391 = arith.index_cast %swap3A_390 : i32 to index
    %swap3A_392 = arith.constant 112 : index
    %swap3A_393 = tpu.vector_load %arg8[%swap3A_391, %swap3A_392] {strides = array<i32>} : memref<1x128xi32, #tpu.memory_space<vmem>>, vector<1x16xi32>,
    %swap3A_394 = vector.shape_cast %swap3A_393 : vector<1x16xi32> to vector<16xi32>
    %swap3A_395 = vector.shape_cast %and3A_389 : vector<16xi32> to vector<1x16xi32>
    tpu.vector_store %arg8[%swap3A_391, %swap3A_392], %swap3A_395 {strides = array<i32>} : memref<1x128xi32, #tpu.memory_space<vmem>>, vector<1x16xi32>,
    %shift_right_arithmetic3A_396 = arith.constant 16 : i32
    %shift_right_arithmetic3A_397 = vector.broadcast %shift_right_arithmetic3A_396 : i32 to vector<16xi32>
    %shift_right_arithmetic3A_398 = arith.shrsi %get3A_386, %shift_right_arithmetic3A_397 : vector<16xi32>
    %swap3A_399 = arith.constant 0 : i32
    %swap3A_400 = arith.index_cast %swap3A_399 : i32 to index
    %swap3A_401 = arith.constant 112 : index
    %swap3A_402 = tpu.vector_load %arg10[%swap3A_400, %swap3A_401] {strides = array<i32>} : memref<1x128xi32, #tpu.memory_space<vmem>>, vector<1x16xi32>,
    %swap3A_403 = vector.shape_cast %swap3A_402 : vector<1x16xi32> to vector<16xi32>
    %swap3A_404 = vector.shape_cast %shift_right_arithmetic3A_398 : vector<16xi32> to vector<1x16xi32>
    tpu.vector_store %arg10[%swap3A_400, %swap3A_401], %swap3A_404 {strides = array<i32>} : memref<1x128xi32, #tpu.memory_space<vmem>>, vector<1x16xi32>,
    %dma_start3A_405 = arith.constant 0 : i32
    %dma_start3A_406 = arith.constant 0 : i32
    %dma_start3A_407 = tpu.memref_slice %arg8[%dma_start3A_405, %dma_start3A_406] : memref<1x128xi32, #tpu.memory_space<vmem>> -> memref<1x128xi32, #tpu.memory_space<vmem>>
    %dma_start3A_408 = tpu.memref_squeeze %dma_start3A_407 : memref<1x128xi32, #tpu.memory_space<vmem>> -> memref<128xi32, #tpu.memory_space<vmem>>
    %dma_start3A_409 = arith.constant 0 : i32
    %dma_start3A_410 = arith.constant 0 : i32
    %dma_start3A_411 = tpu.memref_slice %arg2[%dma_start3A_409, %dma_start3A_410] : memref<10000x128xf32, #tpu.memory_space<hbm>> -> memref<10000x128xf32, #tpu.memory_space<hbm>>
    tpu.enqueue_indirect_dma source(%dma_start3A_411 : memref<10000x128xf32, #tpu.memory_space<hbm>>) target(%arg12 : memref<128x128xf32, #tpu.memory_space<vmem>>) offsets(%dma_start3A_408 : memref<128xi32, #tpu.memory_space<vmem>>) semaphore(%arg15 : memref<!tpu.dma_semaphore, #tpu.memory_space<semaphore_mem>>)
    %scan3A = arith.constant 0 : i32
    %scan3A_412 = arith.constant 40 : i32
    %scan3A_413 = arith.addi %scan3A, %scan3A_412 : i32
    %scan3A_414 = arith.constant 1 : i32
    scf.for %scan3A_417 = %scan3A to %scan3A_413 step %scan3A_414  : i32 {
      %mul3A_418 = arith.constant 2 : i32
      %mul3A_419 = arith.muli %scan3A_417, %mul3A_418 : i32
      %add3A_420 = arith.constant 0 : i32
      %add3A_421 = arith.addi %add3A_420, %mul3A_419 : i32
      %dma_wait3A = arith.constant 0 : i32
      %dma_wait3A_422 = arith.constant 0 : i32
      %dma_wait3A_423 = tpu.memref_slice %arg7[%dma_wait3A, %dma_wait3A_422] : memref<1x128xi32, #tpu.memory_space<vmem>> -> memref<1x128xi32, #tpu.memory_space<vmem>>
      %dma_wait3A_424 = tpu.memref_squeeze %dma_wait3A_423 : memref<1x128xi32, #tpu.memory_space<vmem>> -> memref<128xi32, #tpu.memory_space<vmem>>
      %dma_wait3A_425 = arith.constant 0 : i32
      %dma_wait3A_426 = arith.constant 0 : i32
      %dma_wait3A_427 = tpu.memref_slice %arg2[%dma_wait3A_425, %dma_wait3A_426] : memref<10000x128xf32, #tpu.memory_space<hbm>> -> memref<10000x128xf32, #tpu.memory_space<hbm>>
      tpu.wait_indirect_dma semaphore(%arg14 : memref<!tpu.dma_semaphore, #tpu.memory_space<semaphore_mem>>) src(%dma_wait3A_427 : memref<10000x128xf32, #tpu.memory_space<hbm>>) dst(%arg11 : memref<128x128xf32, #tpu.memory_space<vmem>>)
      %dma_start3A_428 = arith.constant 0 : i32
      %dma_start3A_429 = arith.constant 0 : i32
      %dma_start3A_430 = tpu.memref_slice %arg9[%dma_start3A_428, %dma_start3A_429] : memref<1x128xi32, #tpu.memory_space<vmem>> -> memref<1x128xi32, #tpu.memory_space<vmem>>
      %dma_start3A_431 = tpu.memref_squeeze %dma_start3A_430 : memref<1x128xi32, #tpu.memory_space<vmem>> -> memref<128xi32, #tpu.memory_space<vmem>>
      %dma_start3A_432 = arith.constant 0 : i32
      %dma_start3A_433 = arith.constant 0 : i32
      %dma_start3A_434 = tpu.memref_slice %arg13[%dma_start3A_432, %dma_start3A_433] : memref<10112x128xf32, #tpu.memory_space<vmem_shared>> -> memref<10112x128xf32, #tpu.memory_space<vmem_shared>>
      tpu.enqueue_indirect_dma source(%arg11 : memref<128x128xf32, #tpu.memory_space<vmem>>) target(%dma_start3A_434 : memref<10112x128xf32, #tpu.memory_space<vmem_shared>>) offsets(%dma_start3A_431 : memref<128xi32, #tpu.memory_space<vmem>>) semaphore(%arg16 : memref<!tpu.dma_semaphore, #tpu.memory_space<semaphore_mem>>) {add = true}
      %dma_wait3A_435 = arith.constant 0 : i32
      %dma_wait3A_436 = arith.constant 0 : i32
      %dma_wait3A_437 = tpu.memref_slice %arg9[%dma_wait3A_435, %dma_wait3A_436] : memref<1x128xi32, #tpu.memory_space<vmem>> -> memref<1x128xi32, #tpu.memory_space<vmem>>
      %dma_wait3A_438 = tpu.memref_squeeze %dma_wait3A_437 : memref<1x128xi32, #tpu.memory_space<vmem>> -> memref<128xi32, #tpu.memory_space<vmem>>
      %dma_wait3A_439 = arith.constant 0 : i32
      %dma_wait3A_440 = arith.constant 0 : i32
      %dma_wait3A_441 = tpu.memref_slice %arg13[%dma_wait3A_439, %dma_wait3A_440] : memref<10112x128xf32, #tpu.memory_space<vmem_shared>> -> memref<10112x128xf32, #tpu.memory_space<vmem_shared>>
      tpu.wait_indirect_dma semaphore(%arg16 : memref<!tpu.dma_semaphore, #tpu.memory_space<semaphore_mem>>) src(%arg11 : memref<128x128xf32, #tpu.memory_space<vmem>>) dst(%dma_wait3A_441 : memref<10112x128xf32, #tpu.memory_space<vmem_shared>>)
      %add3A_442 = arith.constant 0 : i32
      %add3A_443 = arith.addi %add3A_421, %add3A_442 : i32
      %add3A_444 = arith.constant 2 : i32
      %add3A_445 = arith.addi %add3A_443, %add3A_444 : i32
      %lt3A = arith.constant 80 : i32
      %lt3A_446 = arith.cmpi slt, %add3A_445, %lt3A : i32
      %convert_element_type3A = arith.extui %lt3A_446 : i1 to i32
      %cond3A = arith.constant 0 : i32
      %cond3A_447 = arith.cmpi ne, %convert_element_type3A, %cond3A : i32
      scf.if %cond3A_447 {
        %add3A_478 = arith.constant 0 : i32
        %add3A_479 = arith.addi %add3A_421, %add3A_478 : i32
        %add3A_480 = arith.constant 2 : i32
        %add3A_481 = arith.addi %add3A_479, %add3A_480 : i32
        %get3A_482 = arith.constant 0 : i32
        %get3A_483 = arith.index_cast %add3A_481 : i32 to index
        %get3A_484 = arith.index_cast %get3A_482 : i32 to index
        %get3A_485 = arith.constant 0 : index
        %get3A_486 = tpu.vector_load %arg6[%get3A_483, %get3A_484, %get3A_485] {strides = array<i32>} : memref<80x1x128xi32, #tpu.memory_space<vmem>>, vector<1x1x16xi32>,
        %get3A_487 = vector.shape_cast %get3A_486 : vector<1x1x16xi32> to vector<16xi32>
        %and3A_488 = arith.constant 65535 : i32
        %and3A_489 = vector.broadcast %and3A_488 : i32 to vector<16xi32>
        %and3A_490 = arith.andi %get3A_487, %and3A_489 : vector<16xi32>
        %swap3A_491 = arith.constant 0 : i32
        %swap3A_492 = arith.index_cast %swap3A_491 : i32 to index
        %swap3A_493 = arith.constant 0 : index
        %swap3A_494 = tpu.vector_load %arg7[%swap3A_492, %swap3A_493] {strides = array<i32>} : memref<1x128xi32, #tpu.memory_space<vmem>>, vector<1x16xi32>,
        %swap3A_495 = vector.shape_cast %swap3A_494 : vector<1x16xi32> to vector<16xi32>
        %swap3A_496 = vector.shape_cast %and3A_490 : vector<16xi32> to vector<1x16xi32>
        tpu.vector_store %arg7[%swap3A_492, %swap3A_493], %swap3A_496 {strides = array<i32>} : memref<1x128xi32, #tpu.memory_space<vmem>>, vector<1x16xi32>,
        %shift_right_arithmetic3A_497 = arith.constant 16 : i32
        %shift_right_arithmetic3A_498 = vector.broadcast %shift_right_arithmetic3A_497 : i32 to vector<16xi32>
        %shift_right_arithmetic3A_499 = arith.shrsi %get3A_487, %shift_right_arithmetic3A_498 : vector<16xi32>
        %swap3A_500 = arith.constant 0 : i32
        %swap3A_501 = arith.index_cast %swap3A_500 : i32 to index
        %swap3A_502 = arith.constant 0 : index
        %swap3A_503 = tpu.vector_load %arg9[%swap3A_501, %swap3A_502] {strides = array<i32>} : memref<1x128xi32, #tpu.memory_space<vmem>>, vector<1x16xi32>,
        %swap3A_504 = vector.shape_cast %swap3A_503 : vector<1x16xi32> to vector<16xi32>
        %swap3A_505 = vector.shape_cast %shift_right_arithmetic3A_499 : vector<16xi32> to vector<1x16xi32>
        tpu.vector_store %arg9[%swap3A_501, %swap3A_502], %swap3A_505 {strides = array<i32>} : memref<1x128xi32, #tpu.memory_space<vmem>>, vector<1x16xi32>,
        %get3A_506 = arith.constant 0 : i32
        %get3A_507 = arith.index_cast %add3A_481 : i32 to index
        %get3A_508 = arith.index_cast %get3A_506 : i32 to index
        %get3A_509 = arith.constant 16 : index
        %get3A_510 = tpu.vector_load %arg6[%get3A_507, %get3A_508, %get3A_509] {strides = array<i32>} : memref<80x1x128xi32, #tpu.memory_space<vmem>>, vector<1x1x16xi32>,
        %get3A_511 = vector.shape_cast %get3A_510 : vector<1x1x16xi32> to vector<16xi32>
        %and3A_512 = arith.constant 65535 : i32
        %and3A_513 = vector.broadcast %and3A_512 : i32 to vector<16xi32>
        %and3A_514 = arith.andi %get3A_511, %and3A_513 : vector<16xi32>
        %swap3A_515 = arith.constant 0 : i32
        %swap3A_516 = arith.index_cast %swap3A_515 : i32 to index
        %swap3A_517 = arith.constant 16 : index
        %swap3A_518 = tpu.vector_load %arg7[%swap3A_516, %swap3A_517] {strides = array<i32>} : memref<1x128xi32, #tpu.memory_space<vmem>>, vector<1x16xi32>,
        %swap3A_519 = vector.shape_cast %swap3A_518 : vector<1x16xi32> to vector<16xi32>
        %swap3A_520 = vector.shape_cast %and3A_514 : vector<16xi32> to vector<1x16xi32>
        tpu.vector_store %arg7[%swap3A_516, %swap3A_517], %swap3A_520 {strides = array<i32>} : memref<1x128xi32, #tpu.memory_space<vmem>>, vector<1x16xi32>,
        %shift_right_arithmetic3A_521 = arith.constant 16 : i32
        %shift_right_arithmetic3A_522 = vector.broadcast %shift_right_arithmetic3A_521 : i32 to vector<16xi32>
        %shift_right_arithmetic3A_523 = arith.shrsi %get3A_511, %shift_right_arithmetic3A_522 : vector<16xi32>
        %swap3A_524 = arith.constant 0 : i32
        %swap3A_525 = arith.index_cast %swap3A_524 : i32 to index
        %swap3A_526 = arith.constant 16 : index
        %swap3A_527 = tpu.vector_load %arg9[%swap3A_525, %swap3A_526] {strides = array<i32>} : memref<1x128xi32, #tpu.memory_space<vmem>>, vector<1x16xi32>,
        %swap3A_528 = vector.shape_cast %swap3A_527 : vector<1x16xi32> to vector<16xi32>
        %swap3A_529 = vector.shape_cast %shift_right_arithmetic3A_523 : vector<16xi32> to vector<1x16xi32>
        tpu.vector_store %arg9[%swap3A_525, %swap3A_526], %swap3A_529 {strides = array<i32>} : memref<1x128xi32, #tpu.memory_space<vmem>>, vector<1x16xi32>,
        %get3A_530 = arith.constant 0 : i32
        %get3A_531 = arith.index_cast %add3A_481 : i32 to index
        %get3A_532 = arith.index_cast %get3A_530 : i32 to index
        %get3A_533 = arith.constant 32 : index
        %get3A_534 = tpu.vector_load %arg6[%get3A_531, %get3A_532, %get3A_533] {strides = array<i32>} : memref<80x1x128xi32, #tpu.memory_space<vmem>>, vector<1x1x16xi32>,
        %get3A_535 = vector.shape_cast %get3A_534 : vector<1x1x16xi32> to vector<16xi32>
        %and3A_536 = arith.constant 65535 : i32
        %and3A_537 = vector.broadcast %and3A_536 : i32 to vector<16xi32>
        %and3A_538 = arith.andi %get3A_535, %and3A_537 : vector<16xi32>
        %swap3A_539 = arith.constant 0 : i32
        %swap3A_540 = arith.index_cast %swap3A_539 : i32 to index
        %swap3A_541 = arith.constant 32 : index
        %swap3A_542 = tpu.vector_load %arg7[%swap3A_540, %swap3A_541] {strides = array<i32>} : memref<1x128xi32, #tpu.memory_space<vmem>>, vector<1x16xi32>,
        %swap3A_543 = vector.shape_cast %swap3A_542 : vector<1x16xi32> to vector<16xi32>
        %swap3A_544 = vector.shape_cast %and3A_538 : vector<16xi32> to vector<1x16xi32>
        tpu.vector_store %arg7[%swap3A_540, %swap3A_541], %swap3A_544 {strides = array<i32>} : memref<1x128xi32, #tpu.memory_space<vmem>>, vector<1x16xi32>,
        %shift_right_arithmetic3A_545 = arith.constant 16 : i32
        %shift_right_arithmetic3A_546 = vector.broadcast %shift_right_arithmetic3A_545 : i32 to vector<16xi32>
        %shift_right_arithmetic3A_547 = arith.shrsi %get3A_535, %shift_right_arithmetic3A_546 : vector<16xi32>
        %swap3A_548 = arith.constant 0 : i32
        %swap3A_549 = arith.index_cast %swap3A_548 : i32 to index
        %swap3A_550 = arith.constant 32 : index
        %swap3A_551 = tpu.vector_load %arg9[%swap3A_549, %swap3A_550] {strides = array<i32>} : memref<1x128xi32, #tpu.memory_space<vmem>>, vector<1x16xi32>,
        %swap3A_552 = vector.shape_cast %swap3A_551 : vector<1x16xi32> to vector<16xi32>
        %swap3A_553 = vector.shape_cast %shift_right_arithmetic3A_547 : vector<16xi32> to vector<1x16xi32>
        tpu.vector_store %arg9[%swap3A_549, %swap3A_550], %swap3A_553 {strides = array<i32>} : memref<1x128xi32, #tpu.memory_space<vmem>>, vector<1x16xi32>,
        %get3A_554 = arith.constant 0 : i32
        %get3A_555 = arith.index_cast %add3A_481 : i32 to index
        %get3A_556 = arith.index_cast %get3A_554 : i32 to index
        %get3A_557 = arith.constant 48 : index
        %get3A_558 = tpu.vector_load %arg6[%get3A_555, %get3A_556, %get3A_557] {strides = array<i32>} : memref<80x1x128xi32, #tpu.memory_space<vmem>>, vector<1x1x16xi32>,
        %get3A_559 = vector.shape_cast %get3A_558 : vector<1x1x16xi32> to vector<16xi32>
        %and3A_560 = arith.constant 65535 : i32
        %and3A_561 = vector.broadcast %and3A_560 : i32 to vector<16xi32>
        %and3A_562 = arith.andi %get3A_559, %and3A_561 : vector<16xi32>
        %swap3A_563 = arith.constant 0 : i32
        %swap3A_564 = arith.index_cast %swap3A_563 : i32 to index
        %swap3A_565 = arith.constant 48 : index
        %swap3A_566 = tpu.vector_load %arg7[%swap3A_564, %swap3A_565] {strides = array<i32>} : memref<1x128xi32, #tpu.memory_space<vmem>>, vector<1x16xi32>,
        %swap3A_567 = vector.shape_cast %swap3A_566 : vector<1x16xi32> to vector<16xi32>
        %swap3A_568 = vector.shape_cast %and3A_562 : vector<16xi32> to vector<1x16xi32>
        tpu.vector_store %arg7[%swap3A_564, %swap3A_565], %swap3A_568 {strides = array<i32>} : memref<1x128xi32, #tpu.memory_space<vmem>>, vector<1x16xi32>,
        %shift_right_arithmetic3A_569 = arith.constant 16 : i32
        %shift_right_arithmetic3A_570 = vector.broadcast %shift_right_arithmetic3A_569 : i32 to vector<16xi32>
        %shift_right_arithmetic3A_571 = arith.shrsi %get3A_559, %shift_right_arithmetic3A_570 : vector<16xi32>
        %swap3A_572 = arith.constant 0 : i32
        %swap3A_573 = arith.index_cast %swap3A_572 : i32 to index
        %swap3A_574 = arith.constant 48 : index
        %swap3A_575 = tpu.vector_load %arg9[%swap3A_573, %swap3A_574] {strides = array<i32>} : memref<1x128xi32, #tpu.memory_space<vmem>>, vector<1x16xi32>,
        %swap3A_576 = vector.shape_cast %swap3A_575 : vector<1x16xi32> to vector<16xi32>
        %swap3A_577 = vector.shape_cast %shift_right_arithmetic3A_571 : vector<16xi32> to vector<1x16xi32>
        tpu.vector_store %arg9[%swap3A_573, %swap3A_574], %swap3A_577 {strides = array<i32>} : memref<1x128xi32, #tpu.memory_space<vmem>>, vector<1x16xi32>,
        %get3A_578 = arith.constant 0 : i32
        %get3A_579 = arith.index_cast %add3A_481 : i32 to index
        %get3A_580 = arith.index_cast %get3A_578 : i32 to index
        %get3A_581 = arith.constant 64 : index
        %get3A_582 = tpu.vector_load %arg6[%get3A_579, %get3A_580, %get3A_581] {strides = array<i32>} : memref<80x1x128xi32, #tpu.memory_space<vmem>>, vector<1x1x16xi32>,
        %get3A_583 = vector.shape_cast %get3A_582 : vector<1x1x16xi32> to vector<16xi32>
        %and3A_584 = arith.constant 65535 : i32
        %and3A_585 = vector.broadcast %and3A_584 : i32 to vector<16xi32>
        %and3A_586 = arith.andi %get3A_583, %and3A_585 : vector<16xi32>
        %swap3A_587 = arith.constant 0 : i32
        %swap3A_588 = arith.index_cast %swap3A_587 : i32 to index
        %swap3A_589 = arith.constant 64 : index
        %swap3A_590 = tpu.vector_load %arg7[%swap3A_588, %swap3A_589] {strides = array<i32>} : memref<1x128xi32, #tpu.memory_space<vmem>>, vector<1x16xi32>,
        %swap3A_591 = vector.shape_cast %swap3A_590 : vector<1x16xi32> to vector<16xi32>
        %swap3A_592 = vector.shape_cast %and3A_586 : vector<16xi32> to vector<1x16xi32>
        tpu.vector_store %arg7[%swap3A_588, %swap3A_589], %swap3A_592 {strides = array<i32>} : memref<1x128xi32, #tpu.memory_space<vmem>>, vector<1x16xi32>,
        %shift_right_arithmetic3A_593 = arith.constant 16 : i32
        %shift_right_arithmetic3A_594 = vector.broadcast %shift_right_arithmetic3A_593 : i32 to vector<16xi32>
        %shift_right_arithmetic3A_595 = arith.shrsi %get3A_583, %shift_right_arithmetic3A_594 : vector<16xi32>
        %swap3A_596 = arith.constant 0 : i32
        %swap3A_597 = arith.index_cast %swap3A_596 : i32 to index
        %swap3A_598 = arith.constant 64 : index
        %swap3A_599 = tpu.vector_load %arg9[%swap3A_597, %swap3A_598] {strides = array<i32>} : memref<1x128xi32, #tpu.memory_space<vmem>>, vector<1x16xi32>,
        %swap3A_600 = vector.shape_cast %swap3A_599 : vector<1x16xi32> to vector<16xi32>
        %swap3A_601 = vector.shape_cast %shift_right_arithmetic3A_595 : vector<16xi32> to vector<1x16xi32>
        tpu.vector_store %arg9[%swap3A_597, %swap3A_598], %swap3A_601 {strides = array<i32>} : memref<1x128xi32, #tpu.memory_space<vmem>>, vector<1x16xi32>,
        %get3A_602 = arith.constant 0 : i32
        %get3A_603 = arith.index_cast %add3A_481 : i32 to index
        %get3A_604 = arith.index_cast %get3A_602 : i32 to index
        %get3A_605 = arith.constant 80 : index
        %get3A_606 = tpu.vector_load %arg6[%get3A_603, %get3A_604, %get3A_605] {strides = array<i32>} : memref<80x1x128xi32, #tpu.memory_space<vmem>>, vector<1x1x16xi32>,
        %get3A_607 = vector.shape_cast %get3A_606 : vector<1x1x16xi32> to vector<16xi32>
        %and3A_608 = arith.constant 65535 : i32
        %and3A_609 = vector.broadcast %and3A_608 : i32 to vector<16xi32>
        %and3A_610 = arith.andi %get3A_607, %and3A_609 : vector<16xi32>
        %swap3A_611 = arith.constant 0 : i32
        %swap3A_612 = arith.index_cast %swap3A_611 : i32 to index
        %swap3A_613 = arith.constant 80 : index
        %swap3A_614 = tpu.vector_load %arg7[%swap3A_612, %swap3A_613] {strides = array<i32>} : memref<1x128xi32, #tpu.memory_space<vmem>>, vector<1x16xi32>,
        %swap3A_615 = vector.shape_cast %swap3A_614 : vector<1x16xi32> to vector<16xi32>
        %swap3A_616 = vector.shape_cast %and3A_610 : vector<16xi32> to vector<1x16xi32>
        tpu.vector_store %arg7[%swap3A_612, %swap3A_613], %swap3A_616 {strides = array<i32>} : memref<1x128xi32, #tpu.memory_space<vmem>>, vector<1x16xi32>,
        %shift_right_arithmetic3A_617 = arith.constant 16 : i32
        %shift_right_arithmetic3A_618 = vector.broadcast %shift_right_arithmetic3A_617 : i32 to vector<16xi32>
        %shift_right_arithmetic3A_619 = arith.shrsi %get3A_607, %shift_right_arithmetic3A_618 : vector<16xi32>
        %swap3A_620 = arith.constant 0 : i32
        %swap3A_621 = arith.index_cast %swap3A_620 : i32 to index
        %swap3A_622 = arith.constant 80 : index
        %swap3A_623 = tpu.vector_load %arg9[%swap3A_621, %swap3A_622] {strides = array<i32>} : memref<1x128xi32, #tpu.memory_space<vmem>>, vector<1x16xi32>,
        %swap3A_624 = vector.shape_cast %swap3A_623 : vector<1x16xi32> to vector<16xi32>
        %swap3A_625 = vector.shape_cast %shift_right_arithmetic3A_619 : vector<16xi32> to vector<1x16xi32>
        tpu.vector_store %arg9[%swap3A_621, %swap3A_622], %swap3A_625 {strides = array<i32>} : memref<1x128xi32, #tpu.memory_space<vmem>>, vector<1x16xi32>,
        %get3A_626 = arith.constant 0 : i32
        %get3A_627 = arith.index_cast %add3A_481 : i32 to index
        %get3A_628 = arith.index_cast %get3A_626 : i32 to index
        %get3A_629 = arith.constant 96 : index
        %get3A_630 = tpu.vector_load %arg6[%get3A_627, %get3A_628, %get3A_629] {strides = array<i32>} : memref<80x1x128xi32, #tpu.memory_space<vmem>>, vector<1x1x16xi32>,
        %get3A_631 = vector.shape_cast %get3A_630 : vector<1x1x16xi32> to vector<16xi32>
        %and3A_632 = arith.constant 65535 : i32
        %and3A_633 = vector.broadcast %and3A_632 : i32 to vector<16xi32>
        %and3A_634 = arith.andi %get3A_631, %and3A_633 : vector<16xi32>
        %swap3A_635 = arith.constant 0 : i32
        %swap3A_636 = arith.index_cast %swap3A_635 : i32 to index
        %swap3A_637 = arith.constant 96 : index
        %swap3A_638 = tpu.vector_load %arg7[%swap3A_636, %swap3A_637] {strides = array<i32>} : memref<1x128xi32, #tpu.memory_space<vmem>>, vector<1x16xi32>,
        %swap3A_639 = vector.shape_cast %swap3A_638 : vector<1x16xi32> to vector<16xi32>
        %swap3A_640 = vector.shape_cast %and3A_634 : vector<16xi32> to vector<1x16xi32>
        tpu.vector_store %arg7[%swap3A_636, %swap3A_637], %swap3A_640 {strides = array<i32>} : memref<1x128xi32, #tpu.memory_space<vmem>>, vector<1x16xi32>,
        %shift_right_arithmetic3A_641 = arith.constant 16 : i32
        %shift_right_arithmetic3A_642 = vector.broadcast %shift_right_arithmetic3A_641 : i32 to vector<16xi32>
        %shift_right_arithmetic3A_643 = arith.shrsi %get3A_631, %shift_right_arithmetic3A_642 : vector<16xi32>
        %swap3A_644 = arith.constant 0 : i32
        %swap3A_645 = arith.index_cast %swap3A_644 : i32 to index
        %swap3A_646 = arith.constant 96 : index
        %swap3A_647 = tpu.vector_load %arg9[%swap3A_645, %swap3A_646] {strides = array<i32>} : memref<1x128xi32, #tpu.memory_space<vmem>>, vector<1x16xi32>,
        %swap3A_648 = vector.shape_cast %swap3A_647 : vector<1x16xi32> to vector<16xi32>
        %swap3A_649 = vector.shape_cast %shift_right_arithmetic3A_643 : vector<16xi32> to vector<1x16xi32>
        tpu.vector_store %arg9[%swap3A_645, %swap3A_646], %swap3A_649 {strides = array<i32>} : memref<1x128xi32, #tpu.memory_space<vmem>>, vector<1x16xi32>,
        %get3A_650 = arith.constant 0 : i32
        %get3A_651 = arith.index_cast %add3A_481 : i32 to index
        %get3A_652 = arith.index_cast %get3A_650 : i32 to index
        %get3A_653 = arith.constant 112 : index
        %get3A_654 = tpu.vector_load %arg6[%get3A_651, %get3A_652, %get3A_653] {strides = array<i32>} : memref<80x1x128xi32, #tpu.memory_space<vmem>>, vector<1x1x16xi32>,
        %get3A_655 = vector.shape_cast %get3A_654 : vector<1x1x16xi32> to vector<16xi32>
        %and3A_656 = arith.constant 65535 : i32
        %and3A_657 = vector.broadcast %and3A_656 : i32 to vector<16xi32>
        %and3A_658 = arith.andi %get3A_655, %and3A_657 : vector<16xi32>
        %swap3A_659 = arith.constant 0 : i32
        %swap3A_660 = arith.index_cast %swap3A_659 : i32 to index
        %swap3A_661 = arith.constant 112 : index
        %swap3A_662 = tpu.vector_load %arg7[%swap3A_660, %swap3A_661] {strides = array<i32>} : memref<1x128xi32, #tpu.memory_space<vmem>>, vector<1x16xi32>,
        %swap3A_663 = vector.shape_cast %swap3A_662 : vector<1x16xi32> to vector<16xi32>
        %swap3A_664 = vector.shape_cast %and3A_658 : vector<16xi32> to vector<1x16xi32>
        tpu.vector_store %arg7[%swap3A_660, %swap3A_661], %swap3A_664 {strides = array<i32>} : memref<1x128xi32, #tpu.memory_space<vmem>>, vector<1x16xi32>,
        %shift_right_arithmetic3A_665 = arith.constant 16 : i32
        %shift_right_arithmetic3A_666 = vector.broadcast %shift_right_arithmetic3A_665 : i32 to vector<16xi32>
        %shift_right_arithmetic3A_667 = arith.shrsi %get3A_655, %shift_right_arithmetic3A_666 : vector<16xi32>
        %swap3A_668 = arith.constant 0 : i32
        %swap3A_669 = arith.index_cast %swap3A_668 : i32 to index
        %swap3A_670 = arith.constant 112 : index
        %swap3A_671 = tpu.vector_load %arg9[%swap3A_669, %swap3A_670] {strides = array<i32>} : memref<1x128xi32, #tpu.memory_space<vmem>>, vector<1x16xi32>,
        %swap3A_672 = vector.shape_cast %swap3A_671 : vector<1x16xi32> to vector<16xi32>
        %swap3A_673 = vector.shape_cast %shift_right_arithmetic3A_667 : vector<16xi32> to vector<1x16xi32>
        tpu.vector_store %arg9[%swap3A_669, %swap3A_670], %swap3A_673 {strides = array<i32>} : memref<1x128xi32, #tpu.memory_space<vmem>>, vector<1x16xi32>,
        %dma_start3A_674 = arith.constant 0 : i32
        %dma_start3A_675 = arith.constant 0 : i32
        %dma_start3A_676 = tpu.memref_slice %arg7[%dma_start3A_674, %dma_start3A_675] : memref<1x128xi32, #tpu.memory_space<vmem>> -> memref<1x128xi32, #tpu.memory_space<vmem>>
        %dma_start3A_677 = tpu.memref_squeeze %dma_start3A_676 : memref<1x128xi32, #tpu.memory_space<vmem>> -> memref<128xi32, #tpu.memory_space<vmem>>
        %dma_start3A_678 = arith.constant 0 : i32
        %dma_start3A_679 = arith.constant 0 : i32
        %dma_start3A_680 = tpu.memref_slice %arg2[%dma_start3A_678, %dma_start3A_679] : memref<10000x128xf32, #tpu.memory_space<hbm>> -> memref<10000x128xf32, #tpu.memory_space<hbm>>
        tpu.enqueue_indirect_dma source(%dma_start3A_680 : memref<10000x128xf32, #tpu.memory_space<hbm>>) target(%arg11 : memref<128x128xf32, #tpu.memory_space<vmem>>) offsets(%dma_start3A_677 : memref<128xi32, #tpu.memory_space<vmem>>) semaphore(%arg14 : memref<!tpu.dma_semaphore, #tpu.memory_space<semaphore_mem>>)
      } else {
      }
      %dma_wait3A_448 = arith.constant 0 : i32
      %dma_wait3A_449 = arith.constant 0 : i32
      %dma_wait3A_450 = tpu.memref_slice %arg8[%dma_wait3A_448, %dma_wait3A_449] : memref<1x128xi32, #tpu.memory_space<vmem>> -> memref<1x128xi32, #tpu.memory_space<vmem>>
      %dma_wait3A_451 = tpu.memref_squeeze %dma_wait3A_450 : memref<1x128xi32, #tpu.memory_space<vmem>> -> memref<128xi32, #tpu.memory_space<vmem>>
      %dma_wait3A_452 = arith.constant 0 : i32
      %dma_wait3A_453 = arith.constant 0 : i32
      %dma_wait3A_454 = tpu.memref_slice %arg2[%dma_wait3A_452, %dma_wait3A_453] : memref<10000x128xf32, #tpu.memory_space<hbm>> -> memref<10000x128xf32, #tpu.memory_space<hbm>>
      tpu.wait_indirect_dma semaphore(%arg15 : memref<!tpu.dma_semaphore, #tpu.memory_space<semaphore_mem>>) src(%dma_wait3A_454 : memref<10000x128xf32, #tpu.memory_space<hbm>>) dst(%arg12 : memref<128x128xf32, #tpu.memory_space<vmem>>)
      %dma_start3A_455 = arith.constant 0 : i32
      %dma_start3A_456 = arith.constant 0 : i32
      %dma_start3A_457 = tpu.memref_slice %arg10[%dma_start3A_455, %dma_start3A_456] : memref<1x128xi32, #tpu.memory_space<vmem>> -> memref<1x128xi32, #tpu.memory_space<vmem>>
      %dma_start3A_458 = tpu.memref_squeeze %dma_start3A_457 : memref<1x128xi32, #tpu.memory_space<vmem>> -> memref<128xi32, #tpu.memory_space<vmem>>
      %dma_start3A_459 = arith.constant 0 : i32
      %dma_start3A_460 = arith.constant 0 : i32
      %dma_start3A_461 = tpu.memref_slice %arg13[%dma_start3A_459, %dma_start3A_460] : memref<10112x128xf32, #tpu.memory_space<vmem_shared>> -> memref<10112x128xf32, #tpu.memory_space<vmem_shared>>
      tpu.enqueue_indirect_dma source(%arg12 : memref<128x128xf32, #tpu.memory_space<vmem>>) target(%dma_start3A_461 : memref<10112x128xf32, #tpu.memory_space<vmem_shared>>) offsets(%dma_start3A_458 : memref<128xi32, #tpu.memory_space<vmem>>) semaphore(%arg17 : memref<!tpu.dma_semaphore, #tpu.memory_space<semaphore_mem>>) {add = true}
      %dma_wait3A_462 = arith.constant 0 : i32
      %dma_wait3A_463 = arith.constant 0 : i32
      %dma_wait3A_464 = tpu.memref_slice %arg10[%dma_wait3A_462, %dma_wait3A_463] : memref<1x128xi32, #tpu.memory_space<vmem>> -> memref<1x128xi32, #tpu.memory_space<vmem>>
      %dma_wait3A_465 = tpu.memref_squeeze %dma_wait3A_464 : memref<1x128xi32, #tpu.memory_space<vmem>> -> memref<128xi32, #tpu.memory_space<vmem>>
      %dma_wait3A_466 = arith.constant 0 : i32
      %dma_wait3A_467 = arith.constant 0 : i32
      %dma_wait3A_468 = tpu.memref_slice %arg13[%dma_wait3A_466, %dma_wait3A_467] : memref<10112x128xf32, #tpu.memory_space<vmem_shared>> -> memref<10112x128xf32, #tpu.memory_space<vmem_shared>>
      tpu.wait_indirect_dma semaphore(%arg17 : memref<!tpu.dma_semaphore, #tpu.memory_space<semaphore_mem>>) src(%arg12 : memref<128x128xf32, #tpu.memory_space<vmem>>) dst(%dma_wait3A_468 : memref<10112x128xf32, #tpu.memory_space<vmem_shared>>)
      %add3A_469 = arith.constant 1 : i32
      %add3A_470 = arith.addi %add3A_421, %add3A_469 : i32
      %add3A_471 = arith.constant 2 : i32
      %add3A_472 = arith.addi %add3A_470, %add3A_471 : i32
      %lt3A_473 = arith.constant 80 : i32
      %lt3A_474 = arith.cmpi slt, %add3A_472, %lt3A_473 : i32
      %convert_element_type3A_475 = arith.extui %lt3A_474 : i1 to i32
      %cond3A_476 = arith.constant 0 : i32
      %cond3A_477 = arith.cmpi ne, %convert_element_type3A_475, %cond3A_476 : i32
      scf.if %cond3A_477 {
        %add3A_478 = arith.constant 1 : i32
        %add3A_479 = arith.addi %add3A_421, %add3A_478 : i32
        %add3A_480 = arith.constant 2 : i32
        %add3A_481 = arith.addi %add3A_479, %add3A_480 : i32
        %get3A_482 = arith.constant 0 : i32
        %get3A_483 = arith.index_cast %add3A_481 : i32 to index
        %get3A_484 = arith.index_cast %get3A_482 : i32 to index
        %get3A_485 = arith.constant 0 : index
        %get3A_486 = tpu.vector_load %arg6[%get3A_483, %get3A_484, %get3A_485] {strides = array<i32>} : memref<80x1x128xi32, #tpu.memory_space<vmem>>, vector<1x1x16xi32>,
        %get3A_487 = vector.shape_cast %get3A_486 : vector<1x1x16xi32> to vector<16xi32>
        %and3A_488 = arith.constant 65535 : i32
        %and3A_489 = vector.broadcast %and3A_488 : i32 to vector<16xi32>
        %and3A_490 = arith.andi %get3A_487, %and3A_489 : vector<16xi32>
        %swap3A_491 = arith.constant 0 : i32
        %swap3A_492 = arith.index_cast %swap3A_491 : i32 to index
        %swap3A_493 = arith.constant 0 : index
        %swap3A_494 = tpu.vector_load %arg8[%swap3A_492, %swap3A_493] {strides = array<i32>} : memref<1x128xi32, #tpu.memory_space<vmem>>, vector<1x16xi32>,
        %swap3A_495 = vector.shape_cast %swap3A_494 : vector<1x16xi32> to vector<16xi32>
        %swap3A_496 = vector.shape_cast %and3A_490 : vector<16xi32> to vector<1x16xi32>
        tpu.vector_store %arg8[%swap3A_492, %swap3A_493], %swap3A_496 {strides = array<i32>} : memref<1x128xi32, #tpu.memory_space<vmem>>, vector<1x16xi32>,
        %shift_right_arithmetic3A_497 = arith.constant 16 : i32
        %shift_right_arithmetic3A_498 = vector.broadcast %shift_right_arithmetic3A_497 : i32 to vector<16xi32>
        %shift_right_arithmetic3A_499 = arith.shrsi %get3A_487, %shift_right_arithmetic3A_498 : vector<16xi32>
        %swap3A_500 = arith.constant 0 : i32
        %swap3A_501 = arith.index_cast %swap3A_500 : i32 to index
        %swap3A_502 = arith.constant 0 : index
        %swap3A_503 = tpu.vector_load %arg10[%swap3A_501, %swap3A_502] {strides = array<i32>} : memref<1x128xi32, #tpu.memory_space<vmem>>, vector<1x16xi32>,
        %swap3A_504 = vector.shape_cast %swap3A_503 : vector<1x16xi32> to vector<16xi32>
        %swap3A_505 = vector.shape_cast %shift_right_arithmetic3A_499 : vector<16xi32> to vector<1x16xi32>
        tpu.vector_store %arg10[%swap3A_501, %swap3A_502], %swap3A_505 {strides = array<i32>} : memref<1x128xi32, #tpu.memory_space<vmem>>, vector<1x16xi32>,
        %get3A_506 = arith.constant 0 : i32
        %get3A_507 = arith.index_cast %add3A_481 : i32 to index
        %get3A_508 = arith.index_cast %get3A_506 : i32 to index
        %get3A_509 = arith.constant 16 : index
        %get3A_510 = tpu.vector_load %arg6[%get3A_507, %get3A_508, %get3A_509] {strides = array<i32>} : memref<80x1x128xi32, #tpu.memory_space<vmem>>, vector<1x1x16xi32>,
        %get3A_511 = vector.shape_cast %get3A_510 : vector<1x1x16xi32> to vector<16xi32>
        %and3A_512 = arith.constant 65535 : i32
        %and3A_513 = vector.broadcast %and3A_512 : i32 to vector<16xi32>
        %and3A_514 = arith.andi %get3A_511, %and3A_513 : vector<16xi32>
        %swap3A_515 = arith.constant 0 : i32
        %swap3A_516 = arith.index_cast %swap3A_515 : i32 to index
        %swap3A_517 = arith.constant 16 : index
        %swap3A_518 = tpu.vector_load %arg8[%swap3A_516, %swap3A_517] {strides = array<i32>} : memref<1x128xi32, #tpu.memory_space<vmem>>, vector<1x16xi32>,
        %swap3A_519 = vector.shape_cast %swap3A_518 : vector<1x16xi32> to vector<16xi32>
        %swap3A_520 = vector.shape_cast %and3A_514 : vector<16xi32> to vector<1x16xi32>
        tpu.vector_store %arg8[%swap3A_516, %swap3A_517], %swap3A_520 {strides = array<i32>} : memref<1x128xi32, #tpu.memory_space<vmem>>, vector<1x16xi32>,
        %shift_right_arithmetic3A_521 = arith.constant 16 : i32
        %shift_right_arithmetic3A_522 = vector.broadcast %shift_right_arithmetic3A_521 : i32 to vector<16xi32>
        %shift_right_arithmetic3A_523 = arith.shrsi %get3A_511, %shift_right_arithmetic3A_522 : vector<16xi32>
        %swap3A_524 = arith.constant 0 : i32
        %swap3A_525 = arith.index_cast %swap3A_524 : i32 to index
        %swap3A_526 = arith.constant 16 : index
        %swap3A_527 = tpu.vector_load %arg10[%swap3A_525, %swap3A_526] {strides = array<i32>} : memref<1x128xi32, #tpu.memory_space<vmem>>, vector<1x16xi32>,
        %swap3A_528 = vector.shape_cast %swap3A_527 : vector<1x16xi32> to vector<16xi32>
        %swap3A_529 = vector.shape_cast %shift_right_arithmetic3A_523 : vector<16xi32> to vector<1x16xi32>
        tpu.vector_store %arg10[%swap3A_525, %swap3A_526], %swap3A_529 {strides = array<i32>} : memref<1x128xi32, #tpu.memory_space<vmem>>, vector<1x16xi32>,
        %get3A_530 = arith.constant 0 : i32
        %get3A_531 = arith.index_cast %add3A_481 : i32 to index
        %get3A_532 = arith.index_cast %get3A_530 : i32 to index
        %get3A_533 = arith.constant 32 : index
        %get3A_534 = tpu.vector_load %arg6[%get3A_531, %get3A_532, %get3A_533] {strides = array<i32>} : memref<80x1x128xi32, #tpu.memory_space<vmem>>, vector<1x1x16xi32>,
        %get3A_535 = vector.shape_cast %get3A_534 : vector<1x1x16xi32> to vector<16xi32>
        %and3A_536 = arith.constant 65535 : i32
        %and3A_537 = vector.broadcast %and3A_536 : i32 to vector<16xi32>
        %and3A_538 = arith.andi %get3A_535, %and3A_537 : vector<16xi32>
        %swap3A_539 = arith.constant 0 : i32
        %swap3A_540 = arith.index_cast %swap3A_539 : i32 to index
        %swap3A_541 = arith.constant 32 : index
        %swap3A_542 = tpu.vector_load %arg8[%swap3A_540, %swap3A_541] {strides = array<i32>} : memref<1x128xi32, #tpu.memory_space<vmem>>, vector<1x16xi32>,
        %swap3A_543 = vector.shape_cast %swap3A_542 : vector<1x16xi32> to vector<16xi32>
        %swap3A_544 = vector.shape_cast %and3A_538 : vector<16xi32> to vector<1x16xi32>
        tpu.vector_store %arg8[%swap3A_540, %swap3A_541], %swap3A_544 {strides = array<i32>} : memref<1x128xi32, #tpu.memory_space<vmem>>, vector<1x16xi32>,
        %shift_right_arithmetic3A_545 = arith.constant 16 : i32
        %shift_right_arithmetic3A_546 = vector.broadcast %shift_right_arithmetic3A_545 : i32 to vector<16xi32>
        %shift_right_arithmetic3A_547 = arith.shrsi %get3A_535, %shift_right_arithmetic3A_546 : vector<16xi32>
        %swap3A_548 = arith.constant 0 : i32
        %swap3A_549 = arith.index_cast %swap3A_548 : i32 to index
        %swap3A_550 = arith.constant 32 : index
        %swap3A_551 = tpu.vector_load %arg10[%swap3A_549, %swap3A_550] {strides = array<i32>} : memref<1x128xi32, #tpu.memory_space<vmem>>, vector<1x16xi32>,
        %swap3A_552 = vector.shape_cast %swap3A_551 : vector<1x16xi32> to vector<16xi32>
        %swap3A_553 = vector.shape_cast %shift_right_arithmetic3A_547 : vector<16xi32> to vector<1x16xi32>
        tpu.vector_store %arg10[%swap3A_549, %swap3A_550], %swap3A_553 {strides = array<i32>} : memref<1x128xi32, #tpu.memory_space<vmem>>, vector<1x16xi32>,
        %get3A_554 = arith.constant 0 : i32
        %get3A_555 = arith.index_cast %add3A_481 : i32 to index
        %get3A_556 = arith.index_cast %get3A_554 : i32 to index
        %get3A_557 = arith.constant 48 : index
        %get3A_558 = tpu.vector_load %arg6[%get3A_555, %get3A_556, %get3A_557] {strides = array<i32>} : memref<80x1x128xi32, #tpu.memory_space<vmem>>, vector<1x1x16xi32>,
        %get3A_559 = vector.shape_cast %get3A_558 : vector<1x1x16xi32> to vector<16xi32>
        %and3A_560 = arith.constant 65535 : i32
        %and3A_561 = vector.broadcast %and3A_560 : i32 to vector<16xi32>
        %and3A_562 = arith.andi %get3A_559, %and3A_561 : vector<16xi32>
        %swap3A_563 = arith.constant 0 : i32
        %swap3A_564 = arith.index_cast %swap3A_563 : i32 to index
        %swap3A_565 = arith.constant 48 : index
        %swap3A_566 = tpu.vector_load %arg8[%swap3A_564, %swap3A_565] {strides = array<i32>} : memref<1x128xi32, #tpu.memory_space<vmem>>, vector<1x16xi32>,
        %swap3A_567 = vector.shape_cast %swap3A_566 : vector<1x16xi32> to vector<16xi32>
        %swap3A_568 = vector.shape_cast %and3A_562 : vector<16xi32> to vector<1x16xi32>
        tpu.vector_store %arg8[%swap3A_564, %swap3A_565], %swap3A_568 {strides = array<i32>} : memref<1x128xi32, #tpu.memory_space<vmem>>, vector<1x16xi32>,
        %shift_right_arithmetic3A_569 = arith.constant 16 : i32
        %shift_right_arithmetic3A_570 = vector.broadcast %shift_right_arithmetic3A_569 : i32 to vector<16xi32>
        %shift_right_arithmetic3A_571 = arith.shrsi %get3A_559, %shift_right_arithmetic3A_570 : vector<16xi32>
        %swap3A_572 = arith.constant 0 : i32
        %swap3A_573 = arith.index_cast %swap3A_572 : i32 to index
        %swap3A_574 = arith.constant 48 : index
        %swap3A_575 = tpu.vector_load %arg10[%swap3A_573, %swap3A_574] {strides = array<i32>} : memref<1x128xi32, #tpu.memory_space<vmem>>, vector<1x16xi32>,
        %swap3A_576 = vector.shape_cast %swap3A_575 : vector<1x16xi32> to vector<16xi32>
        %swap3A_577 = vector.shape_cast %shift_right_arithmetic3A_571 : vector<16xi32> to vector<1x16xi32>
        tpu.vector_store %arg10[%swap3A_573, %swap3A_574], %swap3A_577 {strides = array<i32>} : memref<1x128xi32, #tpu.memory_space<vmem>>, vector<1x16xi32>,
        %get3A_578 = arith.constant 0 : i32
        %get3A_579 = arith.index_cast %add3A_481 : i32 to index
        %get3A_580 = arith.index_cast %get3A_578 : i32 to index
        %get3A_581 = arith.constant 64 : index
        %get3A_582 = tpu.vector_load %arg6[%get3A_579, %get3A_580, %get3A_581] {strides = array<i32>} : memref<80x1x128xi32, #tpu.memory_space<vmem>>, vector<1x1x16xi32>,
        %get3A_583 = vector.shape_cast %get3A_582 : vector<1x1x16xi32> to vector<16xi32>
        %and3A_584 = arith.constant 65535 : i32
        %and3A_585 = vector.broadcast %and3A_584 : i32 to vector<16xi32>
        %and3A_586 = arith.andi %get3A_583, %and3A_585 : vector<16xi32>
        %swap3A_587 = arith.constant 0 : i32
        %swap3A_588 = arith.index_cast %swap3A_587 : i32 to index
        %swap3A_589 = arith.constant 64 : index
        %swap3A_590 = tpu.vector_load %arg8[%swap3A_588, %swap3A_589] {strides = array<i32>} : memref<1x128xi32, #tpu.memory_space<vmem>>, vector<1x16xi32>,
        %swap3A_591 = vector.shape_cast %swap3A_590 : vector<1x16xi32> to vector<16xi32>
        %swap3A_592 = vector.shape_cast %and3A_586 : vector<16xi32> to vector<1x16xi32>
        tpu.vector_store %arg8[%swap3A_588, %swap3A_589], %swap3A_592 {strides = array<i32>} : memref<1x128xi32, #tpu.memory_space<vmem>>, vector<1x16xi32>,
        %shift_right_arithmetic3A_593 = arith.constant 16 : i32
        %shift_right_arithmetic3A_594 = vector.broadcast %shift_right_arithmetic3A_593 : i32 to vector<16xi32>
        %shift_right_arithmetic3A_595 = arith.shrsi %get3A_583, %shift_right_arithmetic3A_594 : vector<16xi32>
        %swap3A_596 = arith.constant 0 : i32
        %swap3A_597 = arith.index_cast %swap3A_596 : i32 to index
        %swap3A_598 = arith.constant 64 : index
        %swap3A_599 = tpu.vector_load %arg10[%swap3A_597, %swap3A_598] {strides = array<i32>} : memref<1x128xi32, #tpu.memory_space<vmem>>, vector<1x16xi32>,
        %swap3A_600 = vector.shape_cast %swap3A_599 : vector<1x16xi32> to vector<16xi32>
        %swap3A_601 = vector.shape_cast %shift_right_arithmetic3A_595 : vector<16xi32> to vector<1x16xi32>
        tpu.vector_store %arg10[%swap3A_597, %swap3A_598], %swap3A_601 {strides = array<i32>} : memref<1x128xi32, #tpu.memory_space<vmem>>, vector<1x16xi32>,
        %get3A_602 = arith.constant 0 : i32
        %get3A_603 = arith.index_cast %add3A_481 : i32 to index
        %get3A_604 = arith.index_cast %get3A_602 : i32 to index
        %get3A_605 = arith.constant 80 : index
        %get3A_606 = tpu.vector_load %arg6[%get3A_603, %get3A_604, %get3A_605] {strides = array<i32>} : memref<80x1x128xi32, #tpu.memory_space<vmem>>, vector<1x1x16xi32>,
        %get3A_607 = vector.shape_cast %get3A_606 : vector<1x1x16xi32> to vector<16xi32>
        %and3A_608 = arith.constant 65535 : i32
        %and3A_609 = vector.broadcast %and3A_608 : i32 to vector<16xi32>
        %and3A_610 = arith.andi %get3A_607, %and3A_609 : vector<16xi32>
        %swap3A_611 = arith.constant 0 : i32
        %swap3A_612 = arith.index_cast %swap3A_611 : i32 to index
        %swap3A_613 = arith.constant 80 : index
        %swap3A_614 = tpu.vector_load %arg8[%swap3A_612, %swap3A_613] {strides = array<i32>} : memref<1x128xi32, #tpu.memory_space<vmem>>, vector<1x16xi32>,
        %swap3A_615 = vector.shape_cast %swap3A_614 : vector<1x16xi32> to vector<16xi32>
        %swap3A_616 = vector.shape_cast %and3A_610 : vector<16xi32> to vector<1x16xi32>
        tpu.vector_store %arg8[%swap3A_612, %swap3A_613], %swap3A_616 {strides = array<i32>} : memref<1x128xi32, #tpu.memory_space<vmem>>, vector<1x16xi32>,
        %shift_right_arithmetic3A_617 = arith.constant 16 : i32
        %shift_right_arithmetic3A_618 = vector.broadcast %shift_right_arithmetic3A_617 : i32 to vector<16xi32>
        %shift_right_arithmetic3A_619 = arith.shrsi %get3A_607, %shift_right_arithmetic3A_618 : vector<16xi32>
        %swap3A_620 = arith.constant 0 : i32
        %swap3A_621 = arith.index_cast %swap3A_620 : i32 to index
        %swap3A_622 = arith.constant 80 : index
        %swap3A_623 = tpu.vector_load %arg10[%swap3A_621, %swap3A_622] {strides = array<i32>} : memref<1x128xi32, #tpu.memory_space<vmem>>, vector<1x16xi32>,
        %swap3A_624 = vector.shape_cast %swap3A_623 : vector<1x16xi32> to vector<16xi32>
        %swap3A_625 = vector.shape_cast %shift_right_arithmetic3A_619 : vector<16xi32> to vector<1x16xi32>
        tpu.vector_store %arg10[%swap3A_621, %swap3A_622], %swap3A_625 {strides = array<i32>} : memref<1x128xi32, #tpu.memory_space<vmem>>, vector<1x16xi32>,
        %get3A_626 = arith.constant 0 : i32
        %get3A_627 = arith.index_cast %add3A_481 : i32 to index
        %get3A_628 = arith.index_cast %get3A_626 : i32 to index
        %get3A_629 = arith.constant 96 : index
        %get3A_630 = tpu.vector_load %arg6[%get3A_627, %get3A_628, %get3A_629] {strides = array<i32>} : memref<80x1x128xi32, #tpu.memory_space<vmem>>, vector<1x1x16xi32>,
        %get3A_631 = vector.shape_cast %get3A_630 : vector<1x1x16xi32> to vector<16xi32>
        %and3A_632 = arith.constant 65535 : i32
        %and3A_633 = vector.broadcast %and3A_632 : i32 to vector<16xi32>
        %and3A_634 = arith.andi %get3A_631, %and3A_633 : vector<16xi32>
        %swap3A_635 = arith.constant 0 : i32
        %swap3A_636 = arith.index_cast %swap3A_635 : i32 to index
        %swap3A_637 = arith.constant 96 : index
        %swap3A_638 = tpu.vector_load %arg8[%swap3A_636, %swap3A_637] {strides = array<i32>} : memref<1x128xi32, #tpu.memory_space<vmem>>, vector<1x16xi32>,
        %swap3A_639 = vector.shape_cast %swap3A_638 : vector<1x16xi32> to vector<16xi32>
        %swap3A_640 = vector.shape_cast %and3A_634 : vector<16xi32> to vector<1x16xi32>
        tpu.vector_store %arg8[%swap3A_636, %swap3A_637], %swap3A_640 {strides = array<i32>} : memref<1x128xi32, #tpu.memory_space<vmem>>, vector<1x16xi32>,
        %shift_right_arithmetic3A_641 = arith.constant 16 : i32
        %shift_right_arithmetic3A_642 = vector.broadcast %shift_right_arithmetic3A_641 : i32 to vector<16xi32>
        %shift_right_arithmetic3A_643 = arith.shrsi %get3A_631, %shift_right_arithmetic3A_642 : vector<16xi32>
        %swap3A_644 = arith.constant 0 : i32
        %swap3A_645 = arith.index_cast %swap3A_644 : i32 to index
        %swap3A_646 = arith.constant 96 : index
        %swap3A_647 = tpu.vector_load %arg10[%swap3A_645, %swap3A_646] {strides = array<i32>} : memref<1x128xi32, #tpu.memory_space<vmem>>, vector<1x16xi32>,
        %swap3A_648 = vector.shape_cast %swap3A_647 : vector<1x16xi32> to vector<16xi32>
        %swap3A_649 = vector.shape_cast %shift_right_arithmetic3A_643 : vector<16xi32> to vector<1x16xi32>
        tpu.vector_store %arg10[%swap3A_645, %swap3A_646], %swap3A_649 {strides = array<i32>} : memref<1x128xi32, #tpu.memory_space<vmem>>, vector<1x16xi32>,
        %get3A_650 = arith.constant 0 : i32
        %get3A_651 = arith.index_cast %add3A_481 : i32 to index
        %get3A_652 = arith.index_cast %get3A_650 : i32 to index
        %get3A_653 = arith.constant 112 : index
        %get3A_654 = tpu.vector_load %arg6[%get3A_651, %get3A_652, %get3A_653] {strides = array<i32>} : memref<80x1x128xi32, #tpu.memory_space<vmem>>, vector<1x1x16xi32>,
        %get3A_655 = vector.shape_cast %get3A_654 : vector<1x1x16xi32> to vector<16xi32>
        %and3A_656 = arith.constant 65535 : i32
        %and3A_657 = vector.broadcast %and3A_656 : i32 to vector<16xi32>
        %and3A_658 = arith.andi %get3A_655, %and3A_657 : vector<16xi32>
        %swap3A_659 = arith.constant 0 : i32
        %swap3A_660 = arith.index_cast %swap3A_659 : i32 to index
        %swap3A_661 = arith.constant 112 : index
        %swap3A_662 = tpu.vector_load %arg8[%swap3A_660, %swap3A_661] {strides = array<i32>} : memref<1x128xi32, #tpu.memory_space<vmem>>, vector<1x16xi32>,
        %swap3A_663 = vector.shape_cast %swap3A_662 : vector<1x16xi32> to vector<16xi32>
        %swap3A_664 = vector.shape_cast %and3A_658 : vector<16xi32> to vector<1x16xi32>
        tpu.vector_store %arg8[%swap3A_660, %swap3A_661], %swap3A_664 {strides = array<i32>} : memref<1x128xi32, #tpu.memory_space<vmem>>, vector<1x16xi32>,
        %shift_right_arithmetic3A_665 = arith.constant 16 : i32
        %shift_right_arithmetic3A_666 = vector.broadcast %shift_right_arithmetic3A_665 : i32 to vector<16xi32>
        %shift_right_arithmetic3A_667 = arith.shrsi %get3A_655, %shift_right_arithmetic3A_666 : vector<16xi32>
        %swap3A_668 = arith.constant 0 : i32
        %swap3A_669 = arith.index_cast %swap3A_668 : i32 to index
        %swap3A_670 = arith.constant 112 : index
        %swap3A_671 = tpu.vector_load %arg10[%swap3A_669, %swap3A_670] {strides = array<i32>} : memref<1x128xi32, #tpu.memory_space<vmem>>, vector<1x16xi32>,
        %swap3A_672 = vector.shape_cast %swap3A_671 : vector<1x16xi32> to vector<16xi32>
        %swap3A_673 = vector.shape_cast %shift_right_arithmetic3A_667 : vector<16xi32> to vector<1x16xi32>
        tpu.vector_store %arg10[%swap3A_669, %swap3A_670], %swap3A_673 {strides = array<i32>} : memref<1x128xi32, #tpu.memory_space<vmem>>, vector<1x16xi32>,
        %dma_start3A_674 = arith.constant 0 : i32
        %dma_start3A_675 = arith.constant 0 : i32
        %dma_start3A_676 = tpu.memref_slice %arg8[%dma_start3A_674, %dma_start3A_675] : memref<1x128xi32, #tpu.memory_space<vmem>> -> memref<1x128xi32, #tpu.memory_space<vmem>>
        %dma_start3A_677 = tpu.memref_squeeze %dma_start3A_676 : memref<1x128xi32, #tpu.memory_space<vmem>> -> memref<128xi32, #tpu.memory_space<vmem>>
        %dma_start3A_678 = arith.constant 0 : i32
        %dma_start3A_679 = arith.constant 0 : i32
        %dma_start3A_680 = tpu.memref_slice %arg2[%dma_start3A_678, %dma_start3A_679] : memref<10000x128xf32, #tpu.memory_space<hbm>> -> memref<10000x128xf32, #tpu.memory_space<hbm>>
        tpu.enqueue_indirect_dma source(%dma_start3A_680 : memref<10000x128xf32, #tpu.memory_space<hbm>>) target(%arg12 : memref<128x128xf32, #tpu.memory_space<vmem>>) offsets(%dma_start3A_677 : memref<128xi32, #tpu.memory_space<vmem>>) semaphore(%arg15 : memref<!tpu.dma_semaphore, #tpu.memory_space<semaphore_mem>>)
      } else {
      }
    }
    %scan3A_415 = arith.constant 40 : i32
    %barrier3A_416 = arith.constant 0 : index
    tpu.barrier barrier_id(%barrier3A_416)
    "tpu.region"() ({
      %run_scoped3A = tpu.sem_alloc : memref<!tpu.dma_semaphore, #tpu.memory_space<semaphore_mem>>
      %dma_start3A_417 = arith.constant 0 : i32
      %dma_start3A_418 = tpu.memref_slice %arg5[%arg0, %mul3A_2, %dma_start3A_417] : memref<2x10112x128xf32, #tpu.memory_space<hbm>> -> memref<1x632x128xf32, #tpu.memory_space<hbm>>
      %dma_start3A_419 = tpu.memref_squeeze %dma_start3A_418 : memref<1x632x128xf32, #tpu.memory_space<hbm>> -> memref<632x128xf32, #tpu.memory_space<hbm>>
      %dma_start3A_420 = arith.constant 0 : i32
      %dma_start3A_421 = tpu.memref_slice %arg13[%mul3A_2, %dma_start3A_420] : memref<10112x128xf32, #tpu.memory_space<vmem_shared>> -> memref<632x128xf32, #tpu.memory_space<vmem_shared>>
      tpu.enqueue_dma source(%dma_start3A_421 : memref<632x128xf32, #tpu.memory_space<vmem_shared>>) target(%dma_start3A_419 : memref<632x128xf32, #tpu.memory_space<hbm>>) target_semaphore(%run_scoped3A : memref<!tpu.dma_semaphore, #tpu.memory_space<semaphore_mem>>)
      %dma_wait3A = arith.constant 0 : i32
      %dma_wait3A_422 = tpu.memref_slice %arg5[%arg0, %mul3A_2, %dma_wait3A] : memref<2x10112x128xf32, #tpu.memory_space<hbm>> -> memref<1x632x128xf32, #tpu.memory_space<hbm>>
      %dma_wait3A_423 = tpu.memref_squeeze %dma_wait3A_422 : memref<1x632x128xf32, #tpu.memory_space<hbm>> -> memref<632x128xf32, #tpu.memory_space<hbm>>
      %dma_wait3A_424 = arith.constant 0 : i32
      %dma_wait3A_425 = tpu.memref_slice %arg13[%mul3A_2, %dma_wait3A_424] : memref<10112x128xf32, #tpu.memory_space<vmem_shared>> -> memref<632x128xf32, #tpu.memory_space<vmem_shared>>
      tpu.wait_dma2 semaphore(%run_scoped3A : memref<!tpu.dma_semaphore, #tpu.memory_space<semaphore_mem>>) src(%dma_wait3A_425 : memref<632x128xf32, #tpu.memory_space<vmem_shared>>) dst(%dma_wait3A_423 : memref<632x128xf32, #tpu.memory_space<hbm>>)
      tpu.yield
    }) : () -> ()
    return
  }
}

#map = affine_map<(d0, d1) -> (0, 0, 0, 0)>
#map1 = affine_map<(d0, d1) -> (0, 0)>
#map2 = affine_map<(d0, d1) -> (0, 0, 0)>
module attributes {stable_mosaic.version = 14 : i64} {
  func.func @_deg_kernel(%arg0: i32, %arg1: i32, %arg2: memref<32x80x1x128xi32, #tpu.memory_space<hbm>>, %arg3: memref<10112x16xf32, #tpu.memory_space<hbm>>, %arg4: memref<128x16xf32, #tpu.memory_space<hbm>>, %arg5: memref<2x10112x16xf32, #tpu.memory_space<hbm>>, %arg6: memref<80x1x128xi32, #tpu.memory_space<vmem>>, %arg7: memref<128x16xf32, #tpu.memory_space<vmem>>, %arg8: memref<1x128xi32, #tpu.memory_space<vmem>>, %arg9: memref<1x128xi32, #tpu.memory_space<vmem>>, %arg10: memref<10112x16xf32, #tpu.memory_space<vmem_shared>>, %arg11: memref<!tpu.dma_semaphore, #tpu.memory_space<semaphore_mem>>, %arg12: memref<!tpu.dma_semaphore, #tpu.memory_space<semaphore_mem>>) attributes {dimension_semantics = [#tpu.dimension_semantics<core_parallel>, #tpu.dimension_semantics<subcore_parallel>], iteration_bounds = array<i64: 2, 16>, scalar_prefetch = 0 : i64, scratch_operands = 7 : i64, tpu.core_type = #tpu.core_type<sc_vector_subcore>, window_params = [{transform_indices = #map}, {transform_indices = #map1}, {transform_indices = #map1}, {transform_indices = #map2}]} {
    %mul3A = arith.constant 16 : i32
    %mul3A_0 = arith.muli %arg0, %mul3A : i32
    %add3A = arith.addi %mul3A_0, %arg1 : i32
    %mul3A_1 = arith.constant 632 : i32
    %mul3A_2 = arith.muli %arg1, %mul3A_1 : i32
    "tpu.region"() ({
      %run_scoped3A = tpu.sem_alloc : memref<!tpu.dma_semaphore, #tpu.memory_space<semaphore_mem>>
      %dma_start3A = arith.constant 0 : i32
      %dma_start3A_21 = tpu.memref_slice %arg10[%mul3A_2, %dma_start3A] : memref<10112x16xf32, #tpu.memory_space<vmem_shared>> -> memref<632x16xf32, #tpu.memory_space<vmem_shared>>
      %dma_start3A_22 = arith.constant 0 : i32
      %dma_start3A_23 = tpu.memref_slice %arg3[%mul3A_2, %dma_start3A_22] : memref<10112x16xf32, #tpu.memory_space<hbm>> -> memref<632x16xf32, #tpu.memory_space<hbm>>
      tpu.enqueue_dma source(%dma_start3A_23 : memref<632x16xf32, #tpu.memory_space<hbm>>) target(%dma_start3A_21 : memref<632x16xf32, #tpu.memory_space<vmem_shared>>) target_semaphore(%run_scoped3A : memref<!tpu.dma_semaphore, #tpu.memory_space<semaphore_mem>>)
      %dma_wait3A_24 = arith.constant 0 : i32
      %dma_wait3A_25 = tpu.memref_slice %arg10[%mul3A_2, %dma_wait3A_24] : memref<10112x16xf32, #tpu.memory_space<vmem_shared>> -> memref<632x16xf32, #tpu.memory_space<vmem_shared>>
      %dma_wait3A_26 = arith.constant 0 : i32
      %dma_wait3A_27 = tpu.memref_slice %arg3[%mul3A_2, %dma_wait3A_26] : memref<10112x16xf32, #tpu.memory_space<hbm>> -> memref<632x16xf32, #tpu.memory_space<hbm>>
      tpu.wait_dma2 semaphore(%run_scoped3A : memref<!tpu.dma_semaphore, #tpu.memory_space<semaphore_mem>>) src(%dma_wait3A_27 : memref<632x16xf32, #tpu.memory_space<hbm>>) dst(%dma_wait3A_25 : memref<632x16xf32, #tpu.memory_space<vmem_shared>>)
      tpu.yield
    }) : () -> ()
    "tpu.region"() ({
      %run_scoped3A = tpu.sem_alloc : memref<!tpu.dma_semaphore, #tpu.memory_space<semaphore_mem>>
      tpu.enqueue_dma source(%arg4 : memref<128x16xf32, #tpu.memory_space<hbm>>) target(%arg7 : memref<128x16xf32, #tpu.memory_space<vmem>>) target_semaphore(%run_scoped3A : memref<!tpu.dma_semaphore, #tpu.memory_space<semaphore_mem>>)
      tpu.wait_dma2 semaphore(%run_scoped3A : memref<!tpu.dma_semaphore, #tpu.memory_space<semaphore_mem>>) src(%arg4 : memref<128x16xf32, #tpu.memory_space<hbm>>) dst(%arg7 : memref<128x16xf32, #tpu.memory_space<vmem>>)
      tpu.yield
    }) : () -> ()
    "tpu.region"() ({
      %run_scoped3A = tpu.sem_alloc : memref<!tpu.dma_semaphore, #tpu.memory_space<semaphore_mem>>
      %dma_start3A = arith.constant 0 : i32
      %dma_start3A_21 = arith.constant 0 : i32
      %dma_start3A_22 = arith.constant 0 : i32
      %dma_start3A_23 = tpu.memref_slice %arg2[%add3A, %dma_start3A, %dma_start3A_21, %dma_start3A_22] : memref<32x80x1x128xi32, #tpu.memory_space<hbm>> -> memref<1x80x1x128xi32, #tpu.memory_space<hbm>>
      %dma_start3A_24 = tpu.memref_squeeze %dma_start3A_23 : memref<1x80x1x128xi32, #tpu.memory_space<hbm>> -> memref<80x1x128xi32, #tpu.memory_space<hbm>>
      %dma_start3A_25 = arith.constant 0 : i32
      %dma_start3A_26 = arith.constant 0 : i32
      %dma_start3A_27 = arith.constant 0 : i32
      %dma_start3A_28 = tpu.memref_slice %arg2[%add3A, %dma_start3A_25, %dma_start3A_26, %dma_start3A_27] : memref<32x80x1x128xi32, #tpu.memory_space<hbm>> -> memref<1x80x1x128xi32, #tpu.memory_space<hbm>>
      %dma_start3A_29 = tpu.memref_squeeze %dma_start3A_28 : memref<1x80x1x128xi32, #tpu.memory_space<hbm>> -> memref<80x1x128xi32, #tpu.memory_space<hbm>>
      tpu.enqueue_dma source(%dma_start3A_29 : memref<80x1x128xi32, #tpu.memory_space<hbm>>) target(%arg6 : memref<80x1x128xi32, #tpu.memory_space<vmem>>) target_semaphore(%run_scoped3A : memref<!tpu.dma_semaphore, #tpu.memory_space<semaphore_mem>>)
      %dma_wait3A_30 = arith.constant 0 : i32
      %dma_wait3A_31 = arith.constant 0 : i32
      %dma_wait3A_32 = arith.constant 0 : i32
      %dma_wait3A_33 = tpu.memref_slice %arg2[%add3A, %dma_wait3A_30, %dma_wait3A_31, %dma_wait3A_32] : memref<32x80x1x128xi32, #tpu.memory_space<hbm>> -> memref<1x80x1x128xi32, #tpu.memory_space<hbm>>
      %dma_wait3A_34 = tpu.memref_squeeze %dma_wait3A_33 : memref<1x80x1x128xi32, #tpu.memory_space<hbm>> -> memref<80x1x128xi32, #tpu.memory_space<hbm>>
      %dma_wait3A_35 = arith.constant 0 : i32
      %dma_wait3A_36 = arith.constant 0 : i32
      %dma_wait3A_37 = arith.constant 0 : i32
      %dma_wait3A_38 = tpu.memref_slice %arg2[%add3A, %dma_wait3A_35, %dma_wait3A_36, %dma_wait3A_37] : memref<32x80x1x128xi32, #tpu.memory_space<hbm>> -> memref<1x80x1x128xi32, #tpu.memory_space<hbm>>
      %dma_wait3A_39 = tpu.memref_squeeze %dma_wait3A_38 : memref<1x80x1x128xi32, #tpu.memory_space<hbm>> -> memref<80x1x128xi32, #tpu.memory_space<hbm>>
      tpu.wait_dma2 semaphore(%run_scoped3A : memref<!tpu.dma_semaphore, #tpu.memory_space<semaphore_mem>>) src(%dma_wait3A_39 : memref<80x1x128xi32, #tpu.memory_space<hbm>>) dst(%arg6 : memref<80x1x128xi32, #tpu.memory_space<vmem>>)
      tpu.yield
    }) : () -> ()
    %barrier3A = arith.constant 0 : index
    tpu.barrier barrier_id(%barrier3A)
    %scan3A = arith.constant 0 : i32
    %scan3A_3 = arith.constant 40 : i32
    %scan3A_4 = arith.addi %scan3A, %scan3A_3 : i32
    %scan3A_5 = arith.constant 1 : i32
    scf.for %scan3A_21 = %scan3A to %scan3A_4 step %scan3A_5  : i32 {
      %mul3A_22 = arith.constant 2 : i32
      %mul3A_23 = arith.muli %scan3A_21, %mul3A_22 : i32
      %add3A_24 = arith.constant 0 : i32
      %add3A_25 = arith.addi %add3A_24, %mul3A_23 : i32
      %gt3A = arith.constant 0 : i32
      %gt3A_26 = arith.cmpi sgt, %add3A_25, %gt3A : i32
      %convert_element_type3A = arith.extui %gt3A_26 : i1 to i32
      %cond3A = arith.constant 0 : i32
      %cond3A_27 = arith.cmpi ne, %convert_element_type3A, %cond3A : i32
      scf.if %cond3A_27 {
        %dma_wait3A_287 = arith.constant 0 : i32
        %dma_wait3A_288 = arith.constant 0 : i32
        %dma_wait3A_289 = tpu.memref_slice %arg8[%dma_wait3A_287, %dma_wait3A_288] : memref<1x128xi32, #tpu.memory_space<vmem>> -> memref<1x128xi32, #tpu.memory_space<vmem>>
        %dma_wait3A_290 = tpu.memref_squeeze %dma_wait3A_289 : memref<1x128xi32, #tpu.memory_space<vmem>> -> memref<128xi32, #tpu.memory_space<vmem>>
        %dma_wait3A_291 = arith.constant 0 : i32
        %dma_wait3A_292 = arith.constant 0 : i32
        %dma_wait3A_293 = tpu.memref_slice %arg10[%dma_wait3A_291, %dma_wait3A_292] : memref<10112x16xf32, #tpu.memory_space<vmem_shared>> -> memref<10112x16xf32, #tpu.memory_space<vmem_shared>>
        tpu.wait_indirect_dma semaphore(%arg11 : memref<!tpu.dma_semaphore, #tpu.memory_space<semaphore_mem>>) src(%arg7 : memref<128x16xf32, #tpu.memory_space<vmem>>) dst(%dma_wait3A_293 : memref<10112x16xf32, #tpu.memory_space<vmem_shared>>)
      } else {
      }
      %add3A_28 = arith.constant 0 : i32
      %add3A_29 = arith.addi %add3A_25, %add3A_28 : i32
      %get3A = arith.constant 0 : i32
      %get3A_30 = arith.index_cast %add3A_29 : i32 to index
      %get3A_31 = arith.index_cast %get3A : i32 to index
      %get3A_32 = arith.constant 0 : index
      %get3A_33 = tpu.vector_load %arg6[%get3A_30, %get3A_31, %get3A_32] {strides = array<i32>} : memref<80x1x128xi32, #tpu.memory_space<vmem>>, vector<1x1x16xi32>,
      %get3A_34 = vector.shape_cast %get3A_33 : vector<1x1x16xi32> to vector<16xi32>
      %shift_right_arithmetic3A = arith.constant 16 : i32
      %shift_right_arithmetic3A_35 = vector.broadcast %shift_right_arithmetic3A : i32 to vector<16xi32>
      %shift_right_arithmetic3A_36 = arith.shrsi %get3A_34, %shift_right_arithmetic3A_35 : vector<16xi32>
      %swap3A = arith.constant 0 : i32
      %swap3A_37 = arith.index_cast %swap3A : i32 to index
      %swap3A_38 = arith.constant 0 : index
      %swap3A_39 = tpu.vector_load %arg8[%swap3A_37, %swap3A_38] {strides = array<i32>} : memref<1x128xi32, #tpu.memory_space<vmem>>, vector<1x16xi32>,
      %swap3A_40 = vector.shape_cast %swap3A_39 : vector<1x16xi32> to vector<16xi32>
      %swap3A_41 = vector.shape_cast %shift_right_arithmetic3A_36 : vector<16xi32> to vector<1x16xi32>
      tpu.vector_store %arg8[%swap3A_37, %swap3A_38], %swap3A_41 {strides = array<i32>} : memref<1x128xi32, #tpu.memory_space<vmem>>, vector<1x16xi32>,
      %get3A_42 = arith.constant 0 : i32
      %get3A_43 = arith.index_cast %add3A_29 : i32 to index
      %get3A_44 = arith.index_cast %get3A_42 : i32 to index
      %get3A_45 = arith.constant 16 : index
      %get3A_46 = tpu.vector_load %arg6[%get3A_43, %get3A_44, %get3A_45] {strides = array<i32>} : memref<80x1x128xi32, #tpu.memory_space<vmem>>, vector<1x1x16xi32>,
      %get3A_47 = vector.shape_cast %get3A_46 : vector<1x1x16xi32> to vector<16xi32>
      %shift_right_arithmetic3A_48 = arith.constant 16 : i32
      %shift_right_arithmetic3A_49 = vector.broadcast %shift_right_arithmetic3A_48 : i32 to vector<16xi32>
      %shift_right_arithmetic3A_50 = arith.shrsi %get3A_47, %shift_right_arithmetic3A_49 : vector<16xi32>
      %swap3A_51 = arith.constant 0 : i32
      %swap3A_52 = arith.index_cast %swap3A_51 : i32 to index
      %swap3A_53 = arith.constant 16 : index
      %swap3A_54 = tpu.vector_load %arg8[%swap3A_52, %swap3A_53] {strides = array<i32>} : memref<1x128xi32, #tpu.memory_space<vmem>>, vector<1x16xi32>,
      %swap3A_55 = vector.shape_cast %swap3A_54 : vector<1x16xi32> to vector<16xi32>
      %swap3A_56 = vector.shape_cast %shift_right_arithmetic3A_50 : vector<16xi32> to vector<1x16xi32>
      tpu.vector_store %arg8[%swap3A_52, %swap3A_53], %swap3A_56 {strides = array<i32>} : memref<1x128xi32, #tpu.memory_space<vmem>>, vector<1x16xi32>,
      %get3A_57 = arith.constant 0 : i32
      %get3A_58 = arith.index_cast %add3A_29 : i32 to index
      %get3A_59 = arith.index_cast %get3A_57 : i32 to index
      %get3A_60 = arith.constant 32 : index
      %get3A_61 = tpu.vector_load %arg6[%get3A_58, %get3A_59, %get3A_60] {strides = array<i32>} : memref<80x1x128xi32, #tpu.memory_space<vmem>>, vector<1x1x16xi32>,
      %get3A_62 = vector.shape_cast %get3A_61 : vector<1x1x16xi32> to vector<16xi32>
      %shift_right_arithmetic3A_63 = arith.constant 16 : i32
      %shift_right_arithmetic3A_64 = vector.broadcast %shift_right_arithmetic3A_63 : i32 to vector<16xi32>
      %shift_right_arithmetic3A_65 = arith.shrsi %get3A_62, %shift_right_arithmetic3A_64 : vector<16xi32>
      %swap3A_66 = arith.constant 0 : i32
      %swap3A_67 = arith.index_cast %swap3A_66 : i32 to index
      %swap3A_68 = arith.constant 32 : index
      %swap3A_69 = tpu.vector_load %arg8[%swap3A_67, %swap3A_68] {strides = array<i32>} : memref<1x128xi32, #tpu.memory_space<vmem>>, vector<1x16xi32>,
      %swap3A_70 = vector.shape_cast %swap3A_69 : vector<1x16xi32> to vector<16xi32>
      %swap3A_71 = vector.shape_cast %shift_right_arithmetic3A_65 : vector<16xi32> to vector<1x16xi32>
      tpu.vector_store %arg8[%swap3A_67, %swap3A_68], %swap3A_71 {strides = array<i32>} : memref<1x128xi32, #tpu.memory_space<vmem>>, vector<1x16xi32>,
      %get3A_72 = arith.constant 0 : i32
      %get3A_73 = arith.index_cast %add3A_29 : i32 to index
      %get3A_74 = arith.index_cast %get3A_72 : i32 to index
      %get3A_75 = arith.constant 48 : index
      %get3A_76 = tpu.vector_load %arg6[%get3A_73, %get3A_74, %get3A_75] {strides = array<i32>} : memref<80x1x128xi32, #tpu.memory_space<vmem>>, vector<1x1x16xi32>,
      %get3A_77 = vector.shape_cast %get3A_76 : vector<1x1x16xi32> to vector<16xi32>
      %shift_right_arithmetic3A_78 = arith.constant 16 : i32
      %shift_right_arithmetic3A_79 = vector.broadcast %shift_right_arithmetic3A_78 : i32 to vector<16xi32>
      %shift_right_arithmetic3A_80 = arith.shrsi %get3A_77, %shift_right_arithmetic3A_79 : vector<16xi32>
      %swap3A_81 = arith.constant 0 : i32
      %swap3A_82 = arith.index_cast %swap3A_81 : i32 to index
      %swap3A_83 = arith.constant 48 : index
      %swap3A_84 = tpu.vector_load %arg8[%swap3A_82, %swap3A_83] {strides = array<i32>} : memref<1x128xi32, #tpu.memory_space<vmem>>, vector<1x16xi32>,
      %swap3A_85 = vector.shape_cast %swap3A_84 : vector<1x16xi32> to vector<16xi32>
      %swap3A_86 = vector.shape_cast %shift_right_arithmetic3A_80 : vector<16xi32> to vector<1x16xi32>
      tpu.vector_store %arg8[%swap3A_82, %swap3A_83], %swap3A_86 {strides = array<i32>} : memref<1x128xi32, #tpu.memory_space<vmem>>, vector<1x16xi32>,
      %get3A_87 = arith.constant 0 : i32
      %get3A_88 = arith.index_cast %add3A_29 : i32 to index
      %get3A_89 = arith.index_cast %get3A_87 : i32 to index
      %get3A_90 = arith.constant 64 : index
      %get3A_91 = tpu.vector_load %arg6[%get3A_88, %get3A_89, %get3A_90] {strides = array<i32>} : memref<80x1x128xi32, #tpu.memory_space<vmem>>, vector<1x1x16xi32>,
      %get3A_92 = vector.shape_cast %get3A_91 : vector<1x1x16xi32> to vector<16xi32>
      %shift_right_arithmetic3A_93 = arith.constant 16 : i32
      %shift_right_arithmetic3A_94 = vector.broadcast %shift_right_arithmetic3A_93 : i32 to vector<16xi32>
      %shift_right_arithmetic3A_95 = arith.shrsi %get3A_92, %shift_right_arithmetic3A_94 : vector<16xi32>
      %swap3A_96 = arith.constant 0 : i32
      %swap3A_97 = arith.index_cast %swap3A_96 : i32 to index
      %swap3A_98 = arith.constant 64 : index
      %swap3A_99 = tpu.vector_load %arg8[%swap3A_97, %swap3A_98] {strides = array<i32>} : memref<1x128xi32, #tpu.memory_space<vmem>>, vector<1x16xi32>,
      %swap3A_100 = vector.shape_cast %swap3A_99 : vector<1x16xi32> to vector<16xi32>
      %swap3A_101 = vector.shape_cast %shift_right_arithmetic3A_95 : vector<16xi32> to vector<1x16xi32>
      tpu.vector_store %arg8[%swap3A_97, %swap3A_98], %swap3A_101 {strides = array<i32>} : memref<1x128xi32, #tpu.memory_space<vmem>>, vector<1x16xi32>,
      %get3A_102 = arith.constant 0 : i32
      %get3A_103 = arith.index_cast %add3A_29 : i32 to index
      %get3A_104 = arith.index_cast %get3A_102 : i32 to index
      %get3A_105 = arith.constant 80 : index
      %get3A_106 = tpu.vector_load %arg6[%get3A_103, %get3A_104, %get3A_105] {strides = array<i32>} : memref<80x1x128xi32, #tpu.memory_space<vmem>>, vector<1x1x16xi32>,
      %get3A_107 = vector.shape_cast %get3A_106 : vector<1x1x16xi32> to vector<16xi32>
      %shift_right_arithmetic3A_108 = arith.constant 16 : i32
      %shift_right_arithmetic3A_109 = vector.broadcast %shift_right_arithmetic3A_108 : i32 to vector<16xi32>
      %shift_right_arithmetic3A_110 = arith.shrsi %get3A_107, %shift_right_arithmetic3A_109 : vector<16xi32>
      %swap3A_111 = arith.constant 0 : i32
      %swap3A_112 = arith.index_cast %swap3A_111 : i32 to index
      %swap3A_113 = arith.constant 80 : index
      %swap3A_114 = tpu.vector_load %arg8[%swap3A_112, %swap3A_113] {strides = array<i32>} : memref<1x128xi32, #tpu.memory_space<vmem>>, vector<1x16xi32>,
      %swap3A_115 = vector.shape_cast %swap3A_114 : vector<1x16xi32> to vector<16xi32>
      %swap3A_116 = vector.shape_cast %shift_right_arithmetic3A_110 : vector<16xi32> to vector<1x16xi32>
      tpu.vector_store %arg8[%swap3A_112, %swap3A_113], %swap3A_116 {strides = array<i32>} : memref<1x128xi32, #tpu.memory_space<vmem>>, vector<1x16xi32>,
      %get3A_117 = arith.constant 0 : i32
      %get3A_118 = arith.index_cast %add3A_29 : i32 to index
      %get3A_119 = arith.index_cast %get3A_117 : i32 to index
      %get3A_120 = arith.constant 96 : index
      %get3A_121 = tpu.vector_load %arg6[%get3A_118, %get3A_119, %get3A_120] {strides = array<i32>} : memref<80x1x128xi32, #tpu.memory_space<vmem>>, vector<1x1x16xi32>,
      %get3A_122 = vector.shape_cast %get3A_121 : vector<1x1x16xi32> to vector<16xi32>
      %shift_right_arithmetic3A_123 = arith.constant 16 : i32
      %shift_right_arithmetic3A_124 = vector.broadcast %shift_right_arithmetic3A_123 : i32 to vector<16xi32>
      %shift_right_arithmetic3A_125 = arith.shrsi %get3A_122, %shift_right_arithmetic3A_124 : vector<16xi32>
      %swap3A_126 = arith.constant 0 : i32
      %swap3A_127 = arith.index_cast %swap3A_126 : i32 to index
      %swap3A_128 = arith.constant 96 : index
      %swap3A_129 = tpu.vector_load %arg8[%swap3A_127, %swap3A_128] {strides = array<i32>} : memref<1x128xi32, #tpu.memory_space<vmem>>, vector<1x16xi32>,
      %swap3A_130 = vector.shape_cast %swap3A_129 : vector<1x16xi32> to vector<16xi32>
      %swap3A_131 = vector.shape_cast %shift_right_arithmetic3A_125 : vector<16xi32> to vector<1x16xi32>
      tpu.vector_store %arg8[%swap3A_127, %swap3A_128], %swap3A_131 {strides = array<i32>} : memref<1x128xi32, #tpu.memory_space<vmem>>, vector<1x16xi32>,
      %get3A_132 = arith.constant 0 : i32
      %get3A_133 = arith.index_cast %add3A_29 : i32 to index
      %get3A_134 = arith.index_cast %get3A_132 : i32 to index
      %get3A_135 = arith.constant 112 : index
      %get3A_136 = tpu.vector_load %arg6[%get3A_133, %get3A_134, %get3A_135] {strides = array<i32>} : memref<80x1x128xi32, #tpu.memory_space<vmem>>, vector<1x1x16xi32>,
      %get3A_137 = vector.shape_cast %get3A_136 : vector<1x1x16xi32> to vector<16xi32>
      %shift_right_arithmetic3A_138 = arith.constant 16 : i32
      %shift_right_arithmetic3A_139 = vector.broadcast %shift_right_arithmetic3A_138 : i32 to vector<16xi32>
      %shift_right_arithmetic3A_140 = arith.shrsi %get3A_137, %shift_right_arithmetic3A_139 : vector<16xi32>
      %swap3A_141 = arith.constant 0 : i32
      %swap3A_142 = arith.index_cast %swap3A_141 : i32 to index
      %swap3A_143 = arith.constant 112 : index
      %swap3A_144 = tpu.vector_load %arg8[%swap3A_142, %swap3A_143] {strides = array<i32>} : memref<1x128xi32, #tpu.memory_space<vmem>>, vector<1x16xi32>,
      %swap3A_145 = vector.shape_cast %swap3A_144 : vector<1x16xi32> to vector<16xi32>
      %swap3A_146 = vector.shape_cast %shift_right_arithmetic3A_140 : vector<16xi32> to vector<1x16xi32>
      tpu.vector_store %arg8[%swap3A_142, %swap3A_143], %swap3A_146 {strides = array<i32>} : memref<1x128xi32, #tpu.memory_space<vmem>>, vector<1x16xi32>,
      %dma_start3A = arith.constant 0 : i32
      %dma_start3A_147 = arith.constant 0 : i32
      %dma_start3A_148 = tpu.memref_slice %arg8[%dma_start3A, %dma_start3A_147] : memref<1x128xi32, #tpu.memory_space<vmem>> -> memref<1x128xi32, #tpu.memory_space<vmem>>
      %dma_start3A_149 = tpu.memref_squeeze %dma_start3A_148 : memref<1x128xi32, #tpu.memory_space<vmem>> -> memref<128xi32, #tpu.memory_space<vmem>>
      %dma_start3A_150 = arith.constant 0 : i32
      %dma_start3A_151 = arith.constant 0 : i32
      %dma_start3A_152 = tpu.memref_slice %arg10[%dma_start3A_150, %dma_start3A_151] : memref<10112x16xf32, #tpu.memory_space<vmem_shared>> -> memref<10112x16xf32, #tpu.memory_space<vmem_shared>>
      tpu.enqueue_indirect_dma source(%arg7 : memref<128x16xf32, #tpu.memory_space<vmem>>) target(%dma_start3A_152 : memref<10112x16xf32, #tpu.memory_space<vmem_shared>>) offsets(%dma_start3A_149 : memref<128xi32, #tpu.memory_space<vmem>>) semaphore(%arg11 : memref<!tpu.dma_semaphore, #tpu.memory_space<semaphore_mem>>) {add = true}
      %gt3A_153 = arith.constant 0 : i32
      %gt3A_154 = arith.cmpi sgt, %add3A_25, %gt3A_153 : i32
      %convert_element_type3A_155 = arith.extui %gt3A_154 : i1 to i32
      %cond3A_156 = arith.constant 0 : i32
      %cond3A_157 = arith.cmpi ne, %convert_element_type3A_155, %cond3A_156 : i32
      scf.if %cond3A_157 {
        %dma_wait3A_287 = arith.constant 0 : i32
        %dma_wait3A_288 = arith.constant 0 : i32
        %dma_wait3A_289 = tpu.memref_slice %arg9[%dma_wait3A_287, %dma_wait3A_288] : memref<1x128xi32, #tpu.memory_space<vmem>> -> memref<1x128xi32, #tpu.memory_space<vmem>>
        %dma_wait3A_290 = tpu.memref_squeeze %dma_wait3A_289 : memref<1x128xi32, #tpu.memory_space<vmem>> -> memref<128xi32, #tpu.memory_space<vmem>>
        %dma_wait3A_291 = arith.constant 0 : i32
        %dma_wait3A_292 = arith.constant 0 : i32
        %dma_wait3A_293 = tpu.memref_slice %arg10[%dma_wait3A_291, %dma_wait3A_292] : memref<10112x16xf32, #tpu.memory_space<vmem_shared>> -> memref<10112x16xf32, #tpu.memory_space<vmem_shared>>
        tpu.wait_indirect_dma semaphore(%arg12 : memref<!tpu.dma_semaphore, #tpu.memory_space<semaphore_mem>>) src(%arg7 : memref<128x16xf32, #tpu.memory_space<vmem>>) dst(%dma_wait3A_293 : memref<10112x16xf32, #tpu.memory_space<vmem_shared>>)
      } else {
      }
      %add3A_158 = arith.constant 1 : i32
      %add3A_159 = arith.addi %add3A_25, %add3A_158 : i32
      %get3A_160 = arith.constant 0 : i32
      %get3A_161 = arith.index_cast %add3A_159 : i32 to index
      %get3A_162 = arith.index_cast %get3A_160 : i32 to index
      %get3A_163 = arith.constant 0 : index
      %get3A_164 = tpu.vector_load %arg6[%get3A_161, %get3A_162, %get3A_163] {strides = array<i32>} : memref<80x1x128xi32, #tpu.memory_space<vmem>>, vector<1x1x16xi32>,
      %get3A_165 = vector.shape_cast %get3A_164 : vector<1x1x16xi32> to vector<16xi32>
      %shift_right_arithmetic3A_166 = arith.constant 16 : i32
      %shift_right_arithmetic3A_167 = vector.broadcast %shift_right_arithmetic3A_166 : i32 to vector<16xi32>
      %shift_right_arithmetic3A_168 = arith.shrsi %get3A_165, %shift_right_arithmetic3A_167 : vector<16xi32>
      %swap3A_169 = arith.constant 0 : i32
      %swap3A_170 = arith.index_cast %swap3A_169 : i32 to index
      %swap3A_171 = arith.constant 0 : index
      %swap3A_172 = tpu.vector_load %arg9[%swap3A_170, %swap3A_171] {strides = array<i32>} : memref<1x128xi32, #tpu.memory_space<vmem>>, vector<1x16xi32>,
      %swap3A_173 = vector.shape_cast %swap3A_172 : vector<1x16xi32> to vector<16xi32>
      %swap3A_174 = vector.shape_cast %shift_right_arithmetic3A_168 : vector<16xi32> to vector<1x16xi32>
      tpu.vector_store %arg9[%swap3A_170, %swap3A_171], %swap3A_174 {strides = array<i32>} : memref<1x128xi32, #tpu.memory_space<vmem>>, vector<1x16xi32>,
      %get3A_175 = arith.constant 0 : i32
      %get3A_176 = arith.index_cast %add3A_159 : i32 to index
      %get3A_177 = arith.index_cast %get3A_175 : i32 to index
      %get3A_178 = arith.constant 16 : index
      %get3A_179 = tpu.vector_load %arg6[%get3A_176, %get3A_177, %get3A_178] {strides = array<i32>} : memref<80x1x128xi32, #tpu.memory_space<vmem>>, vector<1x1x16xi32>,
      %get3A_180 = vector.shape_cast %get3A_179 : vector<1x1x16xi32> to vector<16xi32>
      %shift_right_arithmetic3A_181 = arith.constant 16 : i32
      %shift_right_arithmetic3A_182 = vector.broadcast %shift_right_arithmetic3A_181 : i32 to vector<16xi32>
      %shift_right_arithmetic3A_183 = arith.shrsi %get3A_180, %shift_right_arithmetic3A_182 : vector<16xi32>
      %swap3A_184 = arith.constant 0 : i32
      %swap3A_185 = arith.index_cast %swap3A_184 : i32 to index
      %swap3A_186 = arith.constant 16 : index
      %swap3A_187 = tpu.vector_load %arg9[%swap3A_185, %swap3A_186] {strides = array<i32>} : memref<1x128xi32, #tpu.memory_space<vmem>>, vector<1x16xi32>,
      %swap3A_188 = vector.shape_cast %swap3A_187 : vector<1x16xi32> to vector<16xi32>
      %swap3A_189 = vector.shape_cast %shift_right_arithmetic3A_183 : vector<16xi32> to vector<1x16xi32>
      tpu.vector_store %arg9[%swap3A_185, %swap3A_186], %swap3A_189 {strides = array<i32>} : memref<1x128xi32, #tpu.memory_space<vmem>>, vector<1x16xi32>,
      %get3A_190 = arith.constant 0 : i32
      %get3A_191 = arith.index_cast %add3A_159 : i32 to index
      %get3A_192 = arith.index_cast %get3A_190 : i32 to index
      %get3A_193 = arith.constant 32 : index
      %get3A_194 = tpu.vector_load %arg6[%get3A_191, %get3A_192, %get3A_193] {strides = array<i32>} : memref<80x1x128xi32, #tpu.memory_space<vmem>>, vector<1x1x16xi32>,
      %get3A_195 = vector.shape_cast %get3A_194 : vector<1x1x16xi32> to vector<16xi32>
      %shift_right_arithmetic3A_196 = arith.constant 16 : i32
      %shift_right_arithmetic3A_197 = vector.broadcast %shift_right_arithmetic3A_196 : i32 to vector<16xi32>
      %shift_right_arithmetic3A_198 = arith.shrsi %get3A_195, %shift_right_arithmetic3A_197 : vector<16xi32>
      %swap3A_199 = arith.constant 0 : i32
      %swap3A_200 = arith.index_cast %swap3A_199 : i32 to index
      %swap3A_201 = arith.constant 32 : index
      %swap3A_202 = tpu.vector_load %arg9[%swap3A_200, %swap3A_201] {strides = array<i32>} : memref<1x128xi32, #tpu.memory_space<vmem>>, vector<1x16xi32>,
      %swap3A_203 = vector.shape_cast %swap3A_202 : vector<1x16xi32> to vector<16xi32>
      %swap3A_204 = vector.shape_cast %shift_right_arithmetic3A_198 : vector<16xi32> to vector<1x16xi32>
      tpu.vector_store %arg9[%swap3A_200, %swap3A_201], %swap3A_204 {strides = array<i32>} : memref<1x128xi32, #tpu.memory_space<vmem>>, vector<1x16xi32>,
      %get3A_205 = arith.constant 0 : i32
      %get3A_206 = arith.index_cast %add3A_159 : i32 to index
      %get3A_207 = arith.index_cast %get3A_205 : i32 to index
      %get3A_208 = arith.constant 48 : index
      %get3A_209 = tpu.vector_load %arg6[%get3A_206, %get3A_207, %get3A_208] {strides = array<i32>} : memref<80x1x128xi32, #tpu.memory_space<vmem>>, vector<1x1x16xi32>,
      %get3A_210 = vector.shape_cast %get3A_209 : vector<1x1x16xi32> to vector<16xi32>
      %shift_right_arithmetic3A_211 = arith.constant 16 : i32
      %shift_right_arithmetic3A_212 = vector.broadcast %shift_right_arithmetic3A_211 : i32 to vector<16xi32>
      %shift_right_arithmetic3A_213 = arith.shrsi %get3A_210, %shift_right_arithmetic3A_212 : vector<16xi32>
      %swap3A_214 = arith.constant 0 : i32
      %swap3A_215 = arith.index_cast %swap3A_214 : i32 to index
      %swap3A_216 = arith.constant 48 : index
      %swap3A_217 = tpu.vector_load %arg9[%swap3A_215, %swap3A_216] {strides = array<i32>} : memref<1x128xi32, #tpu.memory_space<vmem>>, vector<1x16xi32>,
      %swap3A_218 = vector.shape_cast %swap3A_217 : vector<1x16xi32> to vector<16xi32>
      %swap3A_219 = vector.shape_cast %shift_right_arithmetic3A_213 : vector<16xi32> to vector<1x16xi32>
      tpu.vector_store %arg9[%swap3A_215, %swap3A_216], %swap3A_219 {strides = array<i32>} : memref<1x128xi32, #tpu.memory_space<vmem>>, vector<1x16xi32>,
      %get3A_220 = arith.constant 0 : i32
      %get3A_221 = arith.index_cast %add3A_159 : i32 to index
      %get3A_222 = arith.index_cast %get3A_220 : i32 to index
      %get3A_223 = arith.constant 64 : index
      %get3A_224 = tpu.vector_load %arg6[%get3A_221, %get3A_222, %get3A_223] {strides = array<i32>} : memref<80x1x128xi32, #tpu.memory_space<vmem>>, vector<1x1x16xi32>,
      %get3A_225 = vector.shape_cast %get3A_224 : vector<1x1x16xi32> to vector<16xi32>
      %shift_right_arithmetic3A_226 = arith.constant 16 : i32
      %shift_right_arithmetic3A_227 = vector.broadcast %shift_right_arithmetic3A_226 : i32 to vector<16xi32>
      %shift_right_arithmetic3A_228 = arith.shrsi %get3A_225, %shift_right_arithmetic3A_227 : vector<16xi32>
      %swap3A_229 = arith.constant 0 : i32
      %swap3A_230 = arith.index_cast %swap3A_229 : i32 to index
      %swap3A_231 = arith.constant 64 : index
      %swap3A_232 = tpu.vector_load %arg9[%swap3A_230, %swap3A_231] {strides = array<i32>} : memref<1x128xi32, #tpu.memory_space<vmem>>, vector<1x16xi32>,
      %swap3A_233 = vector.shape_cast %swap3A_232 : vector<1x16xi32> to vector<16xi32>
      %swap3A_234 = vector.shape_cast %shift_right_arithmetic3A_228 : vector<16xi32> to vector<1x16xi32>
      tpu.vector_store %arg9[%swap3A_230, %swap3A_231], %swap3A_234 {strides = array<i32>} : memref<1x128xi32, #tpu.memory_space<vmem>>, vector<1x16xi32>,
      %get3A_235 = arith.constant 0 : i32
      %get3A_236 = arith.index_cast %add3A_159 : i32 to index
      %get3A_237 = arith.index_cast %get3A_235 : i32 to index
      %get3A_238 = arith.constant 80 : index
      %get3A_239 = tpu.vector_load %arg6[%get3A_236, %get3A_237, %get3A_238] {strides = array<i32>} : memref<80x1x128xi32, #tpu.memory_space<vmem>>, vector<1x1x16xi32>,
      %get3A_240 = vector.shape_cast %get3A_239 : vector<1x1x16xi32> to vector<16xi32>
      %shift_right_arithmetic3A_241 = arith.constant 16 : i32
      %shift_right_arithmetic3A_242 = vector.broadcast %shift_right_arithmetic3A_241 : i32 to vector<16xi32>
      %shift_right_arithmetic3A_243 = arith.shrsi %get3A_240, %shift_right_arithmetic3A_242 : vector<16xi32>
      %swap3A_244 = arith.constant 0 : i32
      %swap3A_245 = arith.index_cast %swap3A_244 : i32 to index
      %swap3A_246 = arith.constant 80 : index
      %swap3A_247 = tpu.vector_load %arg9[%swap3A_245, %swap3A_246] {strides = array<i32>} : memref<1x128xi32, #tpu.memory_space<vmem>>, vector<1x16xi32>,
      %swap3A_248 = vector.shape_cast %swap3A_247 : vector<1x16xi32> to vector<16xi32>
      %swap3A_249 = vector.shape_cast %shift_right_arithmetic3A_243 : vector<16xi32> to vector<1x16xi32>
      tpu.vector_store %arg9[%swap3A_245, %swap3A_246], %swap3A_249 {strides = array<i32>} : memref<1x128xi32, #tpu.memory_space<vmem>>, vector<1x16xi32>,
      %get3A_250 = arith.constant 0 : i32
      %get3A_251 = arith.index_cast %add3A_159 : i32 to index
      %get3A_252 = arith.index_cast %get3A_250 : i32 to index
      %get3A_253 = arith.constant 96 : index
      %get3A_254 = tpu.vector_load %arg6[%get3A_251, %get3A_252, %get3A_253] {strides = array<i32>} : memref<80x1x128xi32, #tpu.memory_space<vmem>>, vector<1x1x16xi32>,
      %get3A_255 = vector.shape_cast %get3A_254 : vector<1x1x16xi32> to vector<16xi32>
      %shift_right_arithmetic3A_256 = arith.constant 16 : i32
      %shift_right_arithmetic3A_257 = vector.broadcast %shift_right_arithmetic3A_256 : i32 to vector<16xi32>
      %shift_right_arithmetic3A_258 = arith.shrsi %get3A_255, %shift_right_arithmetic3A_257 : vector<16xi32>
      %swap3A_259 = arith.constant 0 : i32
      %swap3A_260 = arith.index_cast %swap3A_259 : i32 to index
      %swap3A_261 = arith.constant 96 : index
      %swap3A_262 = tpu.vector_load %arg9[%swap3A_260, %swap3A_261] {strides = array<i32>} : memref<1x128xi32, #tpu.memory_space<vmem>>, vector<1x16xi32>,
      %swap3A_263 = vector.shape_cast %swap3A_262 : vector<1x16xi32> to vector<16xi32>
      %swap3A_264 = vector.shape_cast %shift_right_arithmetic3A_258 : vector<16xi32> to vector<1x16xi32>
      tpu.vector_store %arg9[%swap3A_260, %swap3A_261], %swap3A_264 {strides = array<i32>} : memref<1x128xi32, #tpu.memory_space<vmem>>, vector<1x16xi32>,
      %get3A_265 = arith.constant 0 : i32
      %get3A_266 = arith.index_cast %add3A_159 : i32 to index
      %get3A_267 = arith.index_cast %get3A_265 : i32 to index
      %get3A_268 = arith.constant 112 : index
      %get3A_269 = tpu.vector_load %arg6[%get3A_266, %get3A_267, %get3A_268] {strides = array<i32>} : memref<80x1x128xi32, #tpu.memory_space<vmem>>, vector<1x1x16xi32>,
      %get3A_270 = vector.shape_cast %get3A_269 : vector<1x1x16xi32> to vector<16xi32>
      %shift_right_arithmetic3A_271 = arith.constant 16 : i32
      %shift_right_arithmetic3A_272 = vector.broadcast %shift_right_arithmetic3A_271 : i32 to vector<16xi32>
      %shift_right_arithmetic3A_273 = arith.shrsi %get3A_270, %shift_right_arithmetic3A_272 : vector<16xi32>
      %swap3A_274 = arith.constant 0 : i32
      %swap3A_275 = arith.index_cast %swap3A_274 : i32 to index
      %swap3A_276 = arith.constant 112 : index
      %swap3A_277 = tpu.vector_load %arg9[%swap3A_275, %swap3A_276] {strides = array<i32>} : memref<1x128xi32, #tpu.memory_space<vmem>>, vector<1x16xi32>,
      %swap3A_278 = vector.shape_cast %swap3A_277 : vector<1x16xi32> to vector<16xi32>
      %swap3A_279 = vector.shape_cast %shift_right_arithmetic3A_273 : vector<16xi32> to vector<1x16xi32>
      tpu.vector_store %arg9[%swap3A_275, %swap3A_276], %swap3A_279 {strides = array<i32>} : memref<1x128xi32, #tpu.memory_space<vmem>>, vector<1x16xi32>,
      %dma_start3A_280 = arith.constant 0 : i32
      %dma_start3A_281 = arith.constant 0 : i32
      %dma_start3A_282 = tpu.memref_slice %arg9[%dma_start3A_280, %dma_start3A_281] : memref<1x128xi32, #tpu.memory_space<vmem>> -> memref<1x128xi32, #tpu.memory_space<vmem>>
      %dma_start3A_283 = tpu.memref_squeeze %dma_start3A_282 : memref<1x128xi32, #tpu.memory_space<vmem>> -> memref<128xi32, #tpu.memory_space<vmem>>
      %dma_start3A_284 = arith.constant 0 : i32
      %dma_start3A_285 = arith.constant 0 : i32
      %dma_start3A_286 = tpu.memref_slice %arg10[%dma_start3A_284, %dma_start3A_285] : memref<10112x16xf32, #tpu.memory_space<vmem_shared>> -> memref<10112x16xf32, #tpu.memory_space<vmem_shared>>
      tpu.enqueue_indirect_dma source(%arg7 : memref<128x16xf32, #tpu.memory_space<vmem>>) target(%dma_start3A_286 : memref<10112x16xf32, #tpu.memory_space<vmem_shared>>) offsets(%dma_start3A_283 : memref<128xi32, #tpu.memory_space<vmem>>) semaphore(%arg12 : memref<!tpu.dma_semaphore, #tpu.memory_space<semaphore_mem>>) {add = true}
    }
    %scan3A_6 = arith.constant 40 : i32
    %dma_wait3A = arith.constant 0 : i32
    %dma_wait3A_7 = arith.constant 0 : i32
    %dma_wait3A_8 = tpu.memref_slice %arg8[%dma_wait3A, %dma_wait3A_7] : memref<1x128xi32, #tpu.memory_space<vmem>> -> memref<1x128xi32, #tpu.memory_space<vmem>>
    %dma_wait3A_9 = tpu.memref_squeeze %dma_wait3A_8 : memref<1x128xi32, #tpu.memory_space<vmem>> -> memref<128xi32, #tpu.memory_space<vmem>>
    %dma_wait3A_10 = arith.constant 0 : i32
    %dma_wait3A_11 = arith.constant 0 : i32
    %dma_wait3A_12 = tpu.memref_slice %arg10[%dma_wait3A_10, %dma_wait3A_11] : memref<10112x16xf32, #tpu.memory_space<vmem_shared>> -> memref<10112x16xf32, #tpu.memory_space<vmem_shared>>
    tpu.wait_indirect_dma semaphore(%arg11 : memref<!tpu.dma_semaphore, #tpu.memory_space<semaphore_mem>>) src(%arg7 : memref<128x16xf32, #tpu.memory_space<vmem>>) dst(%dma_wait3A_12 : memref<10112x16xf32, #tpu.memory_space<vmem_shared>>)
    %dma_wait3A_13 = arith.constant 0 : i32
    %dma_wait3A_14 = arith.constant 0 : i32
    %dma_wait3A_15 = tpu.memref_slice %arg9[%dma_wait3A_13, %dma_wait3A_14] : memref<1x128xi32, #tpu.memory_space<vmem>> -> memref<1x128xi32, #tpu.memory_space<vmem>>
    %dma_wait3A_16 = tpu.memref_squeeze %dma_wait3A_15 : memref<1x128xi32, #tpu.memory_space<vmem>> -> memref<128xi32, #tpu.memory_space<vmem>>
    %dma_wait3A_17 = arith.constant 0 : i32
    %dma_wait3A_18 = arith.constant 0 : i32
    %dma_wait3A_19 = tpu.memref_slice %arg10[%dma_wait3A_17, %dma_wait3A_18] : memref<10112x16xf32, #tpu.memory_space<vmem_shared>> -> memref<10112x16xf32, #tpu.memory_space<vmem_shared>>
    tpu.wait_indirect_dma semaphore(%arg12 : memref<!tpu.dma_semaphore, #tpu.memory_space<semaphore_mem>>) src(%arg7 : memref<128x16xf32, #tpu.memory_space<vmem>>) dst(%dma_wait3A_19 : memref<10112x16xf32, #tpu.memory_space<vmem_shared>>)
    %barrier3A_20 = arith.constant 0 : index
    tpu.barrier barrier_id(%barrier3A_20)
    "tpu.region"() ({
      %run_scoped3A = tpu.sem_alloc : memref<!tpu.dma_semaphore, #tpu.memory_space<semaphore_mem>>
      %dma_start3A = arith.constant 0 : i32
      %dma_start3A_21 = tpu.memref_slice %arg5[%arg0, %mul3A_2, %dma_start3A] : memref<2x10112x16xf32, #tpu.memory_space<hbm>> -> memref<1x632x16xf32, #tpu.memory_space<hbm>>
      %dma_start3A_22 = tpu.memref_squeeze %dma_start3A_21 : memref<1x632x16xf32, #tpu.memory_space<hbm>> -> memref<632x16xf32, #tpu.memory_space<hbm>>
      %dma_start3A_23 = arith.constant 0 : i32
      %dma_start3A_24 = tpu.memref_slice %arg10[%mul3A_2, %dma_start3A_23] : memref<10112x16xf32, #tpu.memory_space<vmem_shared>> -> memref<632x16xf32, #tpu.memory_space<vmem_shared>>
      tpu.enqueue_dma source(%dma_start3A_24 : memref<632x16xf32, #tpu.memory_space<vmem_shared>>) target(%dma_start3A_22 : memref<632x16xf32, #tpu.memory_space<hbm>>) target_semaphore(%run_scoped3A : memref<!tpu.dma_semaphore, #tpu.memory_space<semaphore_mem>>)
      %dma_wait3A_25 = arith.constant 0 : i32
      %dma_wait3A_26 = tpu.memref_slice %arg5[%arg0, %mul3A_2, %dma_wait3A_25] : memref<2x10112x16xf32, #tpu.memory_space<hbm>> -> memref<1x632x16xf32, #tpu.memory_space<hbm>>
      %dma_wait3A_27 = tpu.memref_squeeze %dma_wait3A_26 : memref<1x632x16xf32, #tpu.memory_space<hbm>> -> memref<632x16xf32, #tpu.memory_space<hbm>>
      %dma_wait3A_28 = arith.constant 0 : i32
      %dma_wait3A_29 = tpu.memref_slice %arg10[%mul3A_2, %dma_wait3A_28] : memref<10112x16xf32, #tpu.memory_space<vmem_shared>> -> memref<632x16xf32, #tpu.memory_space<vmem_shared>>
      tpu.wait_dma2 semaphore(%run_scoped3A : memref<!tpu.dma_semaphore, #tpu.memory_space<semaphore_mem>>) src(%dma_wait3A_29 : memref<632x16xf32, #tpu.memory_space<vmem_shared>>) dst(%dma_wait3A_27 : memref<632x16xf32, #tpu.memory_space<hbm>>)
      tpu.yield
    }) : () -> ()
    return
  }
}

module attributes {stable_mosaic.version = 14 : i64} {
  func.func @_matmul_body(%arg0: i32, %arg1: memref<2000x128xf32, #tpu.memory_space<vmem>>, %arg2: memref<128x128xf32, #tpu.memory_space<vmem>>, %arg3: memref<2000x128xf32, #tpu.memory_space<vmem>>) attributes {dimension_semantics = [#tpu.dimension_semantics<arbitrary>], iteration_bounds = array<i64: 5>, scalar_prefetch = 0 : i64, scratch_operands = 0 : i64, tpu.core_type = #tpu.core_type<tc>, window_params = [{transform_indices = @transform_0, window_bounds = array<i64: 2000, 128>}, {pipeline_mode = #tpu.pipeline_mode<synchronous>, transform_indices = @transform_1, window_bounds = array<i64: 128, 128>}, {transform_indices = @transform_2, window_bounds = array<i64: 2000, 128>}]} {
    %get3A = arith.constant 0 : index
    %get3A_0 = arith.constant 0 : index
    %get3A_1 = vector.load %arg1[%get3A, %get3A_0] : memref<2000x128xf32, #tpu.memory_space<vmem>>, vector<2000x128xf32>
    %get3A_2 = arith.constant 0 : index
    %get3A_3 = arith.constant 0 : index
    %get3A_4 = vector.load %arg2[%get3A_2, %get3A_3] : memref<128x128xf32, #tpu.memory_space<vmem>>, vector<128x128xf32>
    %dot_general3A = arith.constant dense<0.000000e+00> : vector<2000x128xf32>
    %dot_general3A_5 = tpu.matmul %get3A_1, %get3A_4, %dot_general3A {dimension_numbers = #tpu.dot_dimension_numbers<[1], [0], [0], [1], [0, 0, 1, 1], [], []>, transpose_lhs_hint = false} : vector<2000x128xf32>, vector<128x128xf32>, vector<2000x128xf32> -> vector<2000x128xf32>
    %swap3A = arith.constant 0 : index
    %swap3A_6 = arith.constant 0 : index
    %swap3A_7 = vector.load %arg3[%swap3A, %swap3A_6] : memref<2000x128xf32, #tpu.memory_space<vmem>>, vector<2000x128xf32>
    tpu.vector_store %arg3[%swap3A, %swap3A_6], %dot_general3A_5 {strides = array<i32>} : memref<2000x128xf32, #tpu.memory_space<vmem>>, vector<2000x128xf32>,
    return
  }
  func.func @transform_0(%arg0: i32) -> (i32, i32) {
    %c0_i32 = arith.constant 0 : i32
    %c0_i32_0 = arith.constant 0 : i32
    return %arg0, %c0_i32 : i32, i32
  }
  func.func @transform_1(%arg0: i32) -> (i32, i32) {
    %c0_i32 = arith.constant 0 : i32
    %c0_i32_0 = arith.constant 0 : i32
    %c0_i32_1 = arith.constant 0 : i32
    return %c0_i32, %c0_i32_0 : i32, i32
  }
  func.func @transform_2(%arg0: i32) -> (i32, i32) {
    %c0_i32 = arith.constant 0 : i32
    %c0_i32_0 = arith.constant 0 : i32
    return %arg0, %c0_i32 : i32, i32
  }
}

module attributes {stable_mosaic.version = 14 : i64} {
  func.func @_scale_body(%arg0: i32, %arg1: memref<2000x128xf32, #tpu.memory_space<vmem>>, %arg2: memref<2x2000x16xf32, #tpu.memory_space<vmem>>, %arg3: memref<2000x128xf32, #tpu.memory_space<vmem>>) attributes {dimension_semantics = [#tpu.dimension_semantics<arbitrary>], iteration_bounds = array<i64: 5>, scalar_prefetch = 0 : i64, scratch_operands = 0 : i64, tpu.core_type = #tpu.core_type<tc>, window_params = [{transform_indices = @transform_0, window_bounds = array<i64: 2000, 128>}, {transform_indices = @transform_1, window_bounds = array<i64: 2, 2000, 16>}, {transform_indices = @transform_2, window_bounds = array<i64: 2000, 128>}]} {
    %get3A = arith.constant 0 : index
    %get3A_0 = arith.constant 0 : index
    %get3A_1 = arith.constant 0 : index
    %get3A_2 = vector.load %arg2[%get3A, %get3A_0, %get3A_1] : memref<2x2000x16xf32, #tpu.memory_space<vmem>>, vector<1x2000x1xf32>
    %get3A_3 = vector.shape_cast %get3A_2 : vector<1x2000x1xf32> to vector<2000x1xf32>
    %add3A = arith.constant 1.000000e+00 : f32
    %add3A_4 = vector.broadcast %add3A : f32 to vector<2000x1xf32>
    %add3A_5 = arith.addf %add3A_4, %get3A_3 : vector<2000x1xf32>
    %get3A_6 = arith.constant 1 : index
    %get3A_7 = arith.constant 0 : index
    %get3A_8 = arith.constant 0 : index
    %get3A_9 = vector.load %arg2[%get3A_6, %get3A_7, %get3A_8] : memref<2x2000x16xf32, #tpu.memory_space<vmem>>, vector<1x2000x1xf32>
    %get3A_10 = vector.shape_cast %get3A_9 : vector<1x2000x1xf32> to vector<2000x1xf32>
    %add3A_11 = arith.addf %add3A_5, %get3A_10 : vector<2000x1xf32>
    %get3A_12 = arith.constant 0 : index
    %get3A_13 = arith.constant 0 : index
    %get3A_14 = vector.load %arg1[%get3A_12, %get3A_13] : memref<2000x128xf32, #tpu.memory_space<vmem>>, vector<2000x128xf32>
    %sqrt3A = math.sqrt %add3A_11 : vector<2000x1xf32>
    %div3A = vector.broadcast %sqrt3A : vector<2000x1xf32> to vector<2000x128xf32>
    %div3A_15 = arith.divf %get3A_14, %div3A : vector<2000x128xf32>
    %swap3A = arith.constant 0 : index
    %swap3A_16 = arith.constant 0 : index
    %swap3A_17 = vector.load %arg3[%swap3A, %swap3A_16] : memref<2000x128xf32, #tpu.memory_space<vmem>>, vector<2000x128xf32>
    tpu.vector_store %arg3[%swap3A, %swap3A_16], %div3A_15 {strides = array<i32>} : memref<2000x128xf32, #tpu.memory_space<vmem>>, vector<2000x128xf32>,
    return
  }
  func.func @transform_0(%arg0: i32) -> (i32, i32) {
    %c0_i32 = arith.constant 0 : i32
    %c0_i32_0 = arith.constant 0 : i32
    return %arg0, %c0_i32 : i32, i32
  }
  func.func @transform_1(%arg0: i32) -> (i32, i32, i32) {
    %c0_i32 = arith.constant 0 : i32
    %c0_i32_0 = arith.constant 0 : i32
    %c0_i32_1 = arith.constant 0 : i32
    return %c0_i32, %arg0, %c0_i32_0 : i32, i32, i32
  }
  func.func @transform_2(%arg0: i32) -> (i32, i32) {
    %c0_i32 = arith.constant 0 : i32
    %c0_i32_0 = arith.constant 0 : i32
    return %arg0, %c0_i32 : i32, i32
  }
}

module attributes {stable_mosaic.version = 14 : i64} {
  func.func @_final_body(%arg0: i32, %arg1: memref<2x2000x128xf32, #tpu.memory_space<vmem>>, %arg2: memref<2000x128xf32, #tpu.memory_space<vmem>>, %arg3: memref<2x2000x16xf32, #tpu.memory_space<vmem>>, %arg4: memref<1x128xf32, #tpu.memory_space<vmem>>, %arg5: memref<1x128xf32, #tpu.memory_space<vmem>>, %arg6: memref<2000x128xf32, #tpu.memory_space<vmem>>) attributes {dimension_semantics = [#tpu.dimension_semantics<arbitrary>], iteration_bounds = array<i64: 5>, scalar_prefetch = 0 : i64, scratch_operands = 0 : i64, tpu.core_type = #tpu.core_type<tc>, window_params = [{transform_indices = @transform_0, window_bounds = array<i64: 2, 2000, 128>}, {transform_indices = @transform_1, window_bounds = array<i64: 2000, 128>}, {transform_indices = @transform_2, window_bounds = array<i64: 2, 2000, 16>}, {pipeline_mode = #tpu.pipeline_mode<synchronous>, transform_indices = @transform_3, window_bounds = array<i64: 1, 128>}, {pipeline_mode = #tpu.pipeline_mode<synchronous>, transform_indices = @transform_4, window_bounds = array<i64: 1, 128>}, {transform_indices = @transform_5, window_bounds = array<i64: 2000, 128>}]} {
    %get3A = arith.constant 0 : index
    %get3A_0 = arith.constant 0 : index
    %get3A_1 = arith.constant 0 : index
    %get3A_2 = vector.load %arg3[%get3A, %get3A_0, %get3A_1] : memref<2x2000x16xf32, #tpu.memory_space<vmem>>, vector<1x2000x1xf32>
    %get3A_3 = vector.shape_cast %get3A_2 : vector<1x2000x1xf32> to vector<2000x1xf32>
    %add3A = arith.constant 1.000000e+00 : f32
    %add3A_4 = vector.broadcast %add3A : f32 to vector<2000x1xf32>
    %add3A_5 = arith.addf %add3A_4, %get3A_3 : vector<2000x1xf32>
    %get3A_6 = arith.constant 1 : index
    %get3A_7 = arith.constant 0 : index
    %get3A_8 = arith.constant 0 : index
    %get3A_9 = vector.load %arg3[%get3A_6, %get3A_7, %get3A_8] : memref<2x2000x16xf32, #tpu.memory_space<vmem>>, vector<1x2000x1xf32>
    %get3A_10 = vector.shape_cast %get3A_9 : vector<1x2000x1xf32> to vector<2000x1xf32>
    %add3A_11 = arith.addf %add3A_5, %get3A_10 : vector<2000x1xf32>
    %sqrt3A = math.sqrt %add3A_11 : vector<2000x1xf32>
    %div3A = arith.constant 1.000000e+00 : f32
    %div3A_12 = vector.broadcast %div3A : f32 to vector<2000x1xf32>
    %div3A_13 = arith.divf %div3A_12, %sqrt3A : vector<2000x1xf32>
    %get3A_14 = arith.constant 0 : index
    %get3A_15 = arith.constant 0 : index
    %get3A_16 = arith.constant 0 : index
    %get3A_17 = vector.load %arg1[%get3A_14, %get3A_15, %get3A_16] : memref<2x2000x128xf32, #tpu.memory_space<vmem>>, vector<1x2000x128xf32>
    %get3A_18 = vector.shape_cast %get3A_17 : vector<1x2000x128xf32> to vector<2000x128xf32>
    %get3A_19 = arith.constant 1 : index
    %get3A_20 = arith.constant 0 : index
    %get3A_21 = arith.constant 0 : index
    %get3A_22 = vector.load %arg1[%get3A_19, %get3A_20, %get3A_21] : memref<2x2000x128xf32, #tpu.memory_space<vmem>>, vector<1x2000x128xf32>
    %get3A_23 = vector.shape_cast %get3A_22 : vector<1x2000x128xf32> to vector<2000x128xf32>
    %add3A_24 = arith.addf %get3A_18, %get3A_23 : vector<2000x128xf32>
    %mul3A = vector.broadcast %div3A_13 : vector<2000x1xf32> to vector<2000x128xf32>
    %mul3A_25 = arith.mulf %add3A_24, %mul3A : vector<2000x128xf32>
    %get3A_26 = arith.constant 0 : index
    %get3A_27 = arith.constant 0 : index
    %get3A_28 = vector.load %arg2[%get3A_26, %get3A_27] : memref<2000x128xf32, #tpu.memory_space<vmem>>, vector<2000x128xf32>
    %mul3A_29 = arith.mulf %div3A_13, %div3A_13 : vector<2000x1xf32>
    %mul3A_30 = vector.broadcast %mul3A_29 : vector<2000x1xf32> to vector<2000x128xf32>
    %mul3A_31 = arith.mulf %get3A_28, %mul3A_30 : vector<2000x128xf32>
    %add3A_32 = arith.addf %mul3A_25, %mul3A_31 : vector<2000x128xf32>
    %get3A_33 = arith.constant 0 : index
    %get3A_34 = arith.constant 0 : index
    %get3A_35 = vector.load %arg4[%get3A_33, %get3A_34] : memref<1x128xf32, #tpu.memory_space<vmem>>, vector<1x128xf32>
    %add3A_36 = vector.broadcast %get3A_35 : vector<1x128xf32> to vector<2000x128xf32>
    %add3A_37 = arith.addf %add3A_32, %add3A_36 : vector<2000x128xf32>
    %gt3A = arith.constant 0.000000e+00 : f32
    %gt3A_38 = vector.broadcast %gt3A : f32 to vector<2000x128xf32>
    %gt3A_39 = arith.cmpf ogt, %add3A_37, %gt3A_38 : vector<2000x128xf32>
    %get3A_40 = arith.constant 0 : index
    %get3A_41 = arith.constant 0 : index
    %get3A_42 = vector.load %arg5[%get3A_40, %get3A_41] : memref<1x128xf32, #tpu.memory_space<vmem>>, vector<1x128xf32>
    %mul3A_43 = vector.broadcast %get3A_42 : vector<1x128xf32> to vector<2000x128xf32>
    %mul3A_44 = arith.mulf %mul3A_43, %add3A_37 : vector<2000x128xf32>
    %select_n3A = arith.select %gt3A_39, %add3A_37, %mul3A_44 : vector<2000x128xi1>, vector<2000x128xf32>
    %swap3A = arith.constant 0 : index
    %swap3A_45 = arith.constant 0 : index
    %swap3A_46 = vector.load %arg6[%swap3A, %swap3A_45] : memref<2000x128xf32, #tpu.memory_space<vmem>>, vector<2000x128xf32>
    tpu.vector_store %arg6[%swap3A, %swap3A_45], %select_n3A {strides = array<i32>} : memref<2000x128xf32, #tpu.memory_space<vmem>>, vector<2000x128xf32>,
    return
  }
  func.func @transform_0(%arg0: i32) -> (i32, i32, i32) {
    %c0_i32 = arith.constant 0 : i32
    %c0_i32_0 = arith.constant 0 : i32
    %c0_i32_1 = arith.constant 0 : i32
    return %c0_i32, %arg0, %c0_i32_0 : i32, i32, i32
  }
  func.func @transform_1(%arg0: i32) -> (i32, i32) {
    %c0_i32 = arith.constant 0 : i32
    %c0_i32_0 = arith.constant 0 : i32
    return %arg0, %c0_i32 : i32, i32
  }
  func.func @transform_2(%arg0: i32) -> (i32, i32, i32) {
    %c0_i32 = arith.constant 0 : i32
    %c0_i32_0 = arith.constant 0 : i32
    %c0_i32_1 = arith.constant 0 : i32
    return %c0_i32, %arg0, %c0_i32_0 : i32, i32, i32
  }
  func.func @transform_3(%arg0: i32) -> (i32, i32) {
    %c0_i32 = arith.constant 0 : i32
    %c0_i32_0 = arith.constant 0 : i32
    %c0_i32_1 = arith.constant 0 : i32
    return %c0_i32, %c0_i32_0 : i32, i32
  }
  func.func @transform_4(%arg0: i32) -> (i32, i32) {
    %c0_i32 = arith.constant 0 : i32
    %c0_i32_0 = arith.constant 0 : i32
    %c0_i32_1 = arith.constant 0 : i32
    return %c0_i32, %c0_i32_0 : i32, i32
  }
  func.func @transform_5(%arg0: i32) -> (i32, i32) {
    %c0_i32 = arith.constant 0 : i32
    %c0_i32_0 = arith.constant 0 : i32
    return %arg0, %c0_i32 : i32, i32
  }
}

</mosaic_0001>

<sc_bundles>
// kernel: kernel.10.cloned.1.call-start
scs
__scs_entry_jumppad:
0x0: {  	(pc) =	sbr.rel $0x88, $3  }
0x1: {  	(tag) =	ssettag $0x0;
	lr =	simm.s32 $0x1  }
0x2: {  	[smem:$0x3F9C] =	sst lr;
	_ =	strace $0xD0000000  }
0x3: {  	_ = 	snop  }
0x4: {  	_ = 	snop  }
0x5: {  	_ = 	snop  }
0x6: {  	_ = 	snop  }
0x7: {  	_ = 	snop  }
__scs_overlays_trampoline_lowered:
0x8: {  	[smem:$0x3FAB] =	sst s0  }
0x9: {  	[smem:$0x3FAC] =	sst s1  }
0xa: {  	[smem:$0x3FAD] =	sst s2  }
0xb: {  	[smem:$0x3FAE] =	sst s3  }
0xc: {  	[smem:$0x3FAF] =	sst s4  }
0xd: {  	[smem:$0x3FB0] =	sst s5  }
0xe: {  	[smem:$0x3FB1] =	sst s6  }
0xf: {  	[smem:$0x3FB2] =	sst s7  }
0x10: {  	[smem:$0x3FB3] =	sst s8  }
0x11: {  	[smem:$0x3FB4] =	sst s9;
	s0 =	simm.s32 @!p0 $0x0  }
0x12: {  	s1 =	sld [smem:$0x3F9A];
	s0 =	simm.s32 @p0 $0x1  }
0x13: {  	[smem:$0x3FB5] =	sst s0;
	s0 =	simm.s32 @!p1 $0x0  }
0x14: {  	s2 =	sld [smem:$0x3F99];
	s0 =	simm.s32 @p1 $0x1  }
0x15: {  	[smem:$0x3FB6] =	sst s0;
	s0 =	simm.s32 @!p2 $0x0  }
0x16: {  	s3 =	sld [smem:$0x3FDB];
	s0 =	simm.s32 @p2 $0x1  }
0x17: {  	s4 =	simm.s32 $0x1BF5;
	[smem:$0x3FB8] =	sst s0  }
0x18: {  	s0 =	sld [smem:$0x3F9B];
	_ =	swait.ge [sflag:s4], $0x0  }
0x19: {  	s7 =	sld [smem:$0x3F9C]  }
0x1a: {  	s8 =	sadd.s32 $0xFFFFE003, lr  }
0x1b: {  	s9 =	sadd.s32 $0xFFFFFEF7, lr;
	s5 =	simm.s32 $0xFFFFFFFF;
	p2 =	slt.u32 s8, $0xFFFFF086  }
0x1c: {  	p1 =	slt.u32 s9, $0xF7A;
	s5 =	simm.s32 @!p2 $0x0  }
0x1d: {  	s5 =	simm.s32 @p1 $0x1;
	p0 =	seq.s32 s7, s2  }
0x1e: {  	s7 =	smul.u32 @!p0 $0xF7A, s2;
	p2 =	seq.s32 @!p0 s5, $0x0  }
0x1f: {  	s9 =	smul.u32 $0xF7A, s1;
	s8 =	simm.s32 @!p0 $0x1BF5;
	p2 =	por !p2, p0  }
0x20: {  	[sflag:s8] =	ssyncset.s32 @!p0 $0xFFFFF086;
	s6 =	sadd.s32 @!p0 s3, s7;
	s7 =	simm.s32 @!p0 $0x108  }
0x21: {  	s3 =	sadd.s32 s3, s9;
	s6 =	sadd.s32 @!p0 $0x88, s6;
	s7 =	simm.s32 @p2 $0x1082  }
0x22: {  	[simem:s7], [sflag:s8] =	dma.local @!p0 [hbm:s6], $0xF7A  }
0x23: {  	s9 =	sor.u32 $0xD0000000, s2;
	s6 =	simm.s32 $0x108;
	_ =	swait.ge @!p0 [sflag:s8], $0x0  }
0x24: {  	s3 =	sadd.s32 $0x88, s3;
	s6 =	simm.s32 @!p1 $0x1082;
	[sflag:s4] =	ssyncset.s32 $0xFFFFF086  }
0x25: {  	[simem:s6], [sflag:s4] =	dma.local [hbm:s3], $0xF7A  }
0x26: {  	[smem:$0x3F9C] =	sst s1;
	(tag) =	ssettag s2;
	_ =	strace s9  }
0x27: {  	s1 =	sld [smem:$0x3FAC]  }
0x28: {  	s2 =	sld [smem:$0x3FAD]  }
0x29: {  	s4 =	sld [smem:$0x3FAF]  }
0x2a: {  	p0 =	seq.s32 s5, $0x0;
	s5 =	sld [smem:$0x3FB0]  }
0x2b: {  	s6 =	sld [smem:$0x3FB1]  }
0x2c: {  	s7 =	sld [smem:$0x3FB2]  }
0x2d: {  	s3 =	simm.s32 $0x108;
	s8 =	sld [smem:$0x3FB3]  }
0x2e: {  	s3 =	simm.s32 @!p0 $0x1082;
	s9 =	sld [smem:$0x3FB4]  }
0x2f: {  	lr =	sadd.s32 s0, s3;
	s0 =	sld [smem:$0x3FAB]  }
0x30: {  	s3 =	sld [smem:$0x3FAE]  }
0x31: {  	[smem:$0x3FB7] =	sst s10  }
0x32: {  	s10 =	sld [smem:$0x3FB5];
	_ =	sdelay $0x3  }
0x33: {  	p0 =	seq.s32 s10, $0x1;
	s10 =	sld [smem:$0x3FB7];
	_ =	sdelay $0x3  }
0x34: {  	[smem:$0x3FB7] =	sst s10  }
0x35: {  	s10 =	sld [smem:$0x3FB6];
	_ =	sdelay $0x3  }
0x36: {  	p1 =	seq.s32 s10, $0x1;
	s10 =	sld [smem:$0x3FB7];
	_ =	sdelay $0x3  }
0x37: {  	[smem:$0x3FB7] =	sst s10  }
0x38: {  	s10 =	sld [smem:$0x3FB8]  }
0x39: {  	_ = 	snop;
	(pc) =	sbr.ind lr, $3  }
0x3a: {  	_ = 	snop  }
0x3b: {  	_ = 	snop  }
0x3c: {  	p2 =	seq.s32 s10, $0x1;
	s10 =	sld [smem:$0x3FB7]  }
0x3d: {  	_ =	shalt  }
0x3e: {  	_ =	shalt  }
0x3f: {  	_ =	shalt  }
0x40: {  	_ =	shalt  }
0x41: {  	_ =	shalt  }
0x42: {  	_ =	shalt  }
0x43: {  	_ =	shalt  }
0x44: {  	_ =	shalt  }
0x45: {  	_ =	shalt  }
0x46: {  	_ =	shalt  }
0x47: {  	_ =	shalt  }
0x48: {  	_ =	shalt  }
0x49: {  	_ =	shalt  }
0x4a: {  	_ =	shalt  }
0x4b: {  	_ =	shalt  }
0x4c: {  	_ =	shalt  }
0x4d: {  	_ =	shalt  }
0x4e: {  	_ =	shalt  }
0x4f: {  	_ =	shalt  }
0x50: {  	_ =	shalt  }
0x51: {  	_ =	shalt  }
0x52: {  	_ =	shalt  }
0x53: {  	_ =	shalt  }
0x54: {  	_ =	shalt  }
0x55: {  	_ =	shalt  }
0x56: {  	_ =	shalt  }
0x57: {  	_ =	shalt  }
0x58: {  	_ =	shalt  }
0x59: {  	_ =	shalt  }
0x5a: {  	_ =	shalt  }
0x5b: {  	_ =	shalt  }
0x5c: {  	_ =	shalt  }
0x5d: {  	_ =	shalt  }
0x5e: {  	_ =	shalt  }
0x5f: {  	_ =	shalt  }
0x60: {  	_ =	shalt  }
0x61: {  	_ =	shalt  }
0x62: {  	_ =	shalt  }
0x63: {  	_ =	shalt  }
0x64: {  	_ =	shalt  }
0x65: {  	_ =	shalt  }
0x66: {  	_ =	shalt  }
0x67: {  	_ =	shalt  }
0x68: {  	_ =	shalt  }
0x69: {  	_ =	shalt  }
0x6a: {  	_ =	shalt  }
0x6b: {  	_ =	shalt  }
0x6c: {  	_ =	shalt  }
0x6d: {  	_ =	shalt  }
0x6e: {  	_ =	shalt  }
0x6f: {  	_ =	shalt  }
0x70: {  	_ =	shalt  }
0x71: {  	_ =	shalt  }
0x72: {  	_ =	shalt  }
0x73: {  	_ =	shalt  }
0x74: {  	_ =	shalt  }
0x75: {  	_ =	shalt  }
0x76: {  	_ =	shalt  }
0x77: {  	_ =	shalt  }
0x78: {  	_ =	shalt  }
0x79: {  	_ =	shalt  }
0x7a: {  	_ =	shalt  }
0x7b: {  	_ =	shalt  }
0x7c: {  	_ =	shalt  }
0x7d: {  	_ =	shalt  }
0x7e: {  	_ =	shalt  }
0x7f: {  	_ =	shalt  }
0x80: {  	_ =	shalt  }
0x81: {  	_ =	shalt  }
0x82: {  	_ =	shalt  }
0x83: {  	_ =	shalt  }
0x84: {  	_ =	shalt  }
0x85: {  	_ =	shalt  }
0x86: {  	_ =	shalt  }
0x87: {  	_ =	shalt  }
.Lfunc_end0:
.L_simem_size_0:
called_computation.1_lowered:
.L_overlay_start_0:
0x88: {  	s2 =	sld [smem:$0x3FD9]  }
0x89: {  	s3 =	sld [smem:$0x3FFE];
	_ =	sdelay $0x1  }
0x8a: {  	s1 =	srdreg.scid  }
0x8b: {  	s0 =	sand.u32 $0x1, s1  }
0x8c: {  	s17 =	sshll.u32 s0, $0xA;
	s2 =	sadd.s32 s3, s2  }
0x8d: {  	s2 =	sadd.s32 s2, s17  }
0x8e: {  	[smem:$0x3FC3] =	sst s2  }
0x8f: {  	_ = 	snop  }
0x90: {  	s2 =	sld [smem:$0x3FD0];
	(tm) =	ssettm $0x1  }
0x91: {  	s18 =	sld [smem:$0x3FFB];
	_ =	sdelay $0x3  }
0x92: {  	_ =	strace s18  }
0x93: {  	s3 =	sld [smem:$0x3FFC];
	_ =	sdelay $0x3  }
0x94: {  	_ =	strace s3  }
0x95: {  	s3 =	sld [smem:$0x3FFD];
	_ =	sdelay $0x3  }
0x96: {  	_ =	strace s3  }
0x97: {  	_ =	strace $0x8FFFFFFF  }
0x98: {  	s19 =	sld [smem:$0x3FDB];
	_ =	sdelay $0x1  }
0x99: {  	s4 =	simm.s32 $_scs_section_size  }
0x9a: {  	s5 =	simm.s32 $_size__tile_overlayer_lowered;
	s6 =	simm.s32 $_tile_overlayer_lowered  }
0x9b: {  	s22 =	simm.s32 $0x1BFF;
	s21 =	sshll.u32 s6, $0x1;
	s3 =	sadd.s32 s4, s19  }
0x9c: {  	s7 =	simm.s32 $0x0;
	s20 =	sshll.u32 s5, $0x1;
	s5 =	sadd.s32 s21, s3  }
0x9d: {  	[timem:s7], [sflag:s22] =	dma.local [hbm:s5], s20  }
0x9e: {  	_ =	swait.ge [sflag:s22], s20  }
0x9f: {  	s4 =	ssub.s32 $0x0, s20;
	[sflag:s22] =	ssyncset.done $0x0  }
0xa0: {  	[sflag:s22] =	ssyncadd.s32 s4;
	_ =	sdelay $0x1  }
0xa1: {  	s23 =	simm.s32 $0x1B8B  }
0xa2: {  	_ =	swait.ge [sflag:s23], $0x1  }
0xa3: {  	[sflag:s23] =	ssyncset.done $0x0  }
0xa4: {  	s25 =	simm.s32 $0x1B8E;
	s24 =	sld [smem:$0x3FFE];
	[sflag:s23] =	ssyncadd.s32 $0xFFFFFFFF  }
0xa5: {  	s26 =	simm.s32 $execute0_lowered;
	[smem:$0x3FD2] =	sst s25  }
0xa6: {  	s5 =	sshll.u32 s26, $0x1;
	_ =	strace $0x80000049;
	[dreg:$0x1] =	wrdreg $0xFFFFFFFF  }
0xa7: {  	s28 =	simm.s32 $_size_execute0_lowered;
	s3 =	sadd.s32 s3, s5;
	[dreg:$0x0] =	wrdreg $0x0  }
0xa8: {  	s5 =	sshll.u32 s28, $0x1;
	[dreg:$0x2] =	wrdreg s3  }
0xa9: {  	[dreg:$0x3] =	wrdreg s5  }
0xaa: {  	[dreg:$0x4] =	wrdreg $0xC0  }
0xab: {  	_ =	task [dreg:s7], $0x5FFFF  }
0xac: {  	[dreg:$0x1] =	wrdreg $0xFFFFFFFF  }
0xad: {  	[dreg:$0x0] =	wrdreg $0x60  }
0xae: {  	[dreg:$0x2] =	wrdreg s2  }
0xaf: {  	[dreg:$0x3] =	wrdreg s24  }
0xb0: {  	[dreg:$0x4] =	wrdreg $0xAA000  }
0xb1: {  	[dreg:$0x5] =	wrdreg $0x9  }
0xb2: {  	_ =	task.clear_ibuf [dreg:s7], $0x6FFFF;
	_ =	strace $0x90000049  }
0xb3: {  	s29 =	simm.s32 $0x9;
	_ =	strace $0x8000004B  }
0xb4: {  	_ =	swait.ge [sflag:s29], $0x1  }
0xb5: {  	[sflag:s29] =	ssyncadd.s32 $0xFFFFFFFF  }
0xb6: {  	_ =	strace $0x9000004B  }
0xb7: {  	_ =	sfence  }
0xb8: {  	s30 =	sld [smem:$0x0];
	_ =	sdelay $0x2  }
0xb9: {  	s31 =	sshll.u32 s1, $0xD;
	s1 =	sshrl.u32 s1, $0x2  }
0xba: {  	s3 =	sand.u32 $0x4000, s31;
	s1 =	sadd.s32 s1, s30  }
0xbb: {  	s0 =	sor.u32 s3, s0;
	s1 =	sshll.u32 s1, $0x11  }
0xbc: {  	s0 =	sor.u32 s1, s0  }
0xbd: {  	s0 =	sadd.s32 $0x8F2B, s0  }
0xbe: {  	[sflag:s0] =	ssyncadd.remote.s32 $0x1  }
0xbf: {  	_ =	sfence.sel $0xFFFF  }
0xc0: {  	[dreg:$0x0] =	wrdreg $0xFFFFFFFF;
	(pc) =	sbr.abs _section_cstart, $3  }
0xc1: {  	[dreg:$0x1] =	wrdreg $0xFFFFFFFF  }
0xc2: {  	_ =	task.clear_ibuf [dreg:s7], $0x2FFFF;
	_ =	strace $0x9FFFFFFF  }
0xc3: {  	(tm) =	ssettm $0x7FFFFFFF  }
tec
execute0_lowered:
.L_overlay_start_1:
0x0: {  	(tag) =	ssettag $0x1  }
0x1: {  	s1 =	rddreg [dreg:$0x0]  }
0x2: {  	s6 =	rddreg [dreg:$0x1]  }
0x3: {  	s0 =	srdreg.scid;
	s3 =	rddreg [dreg:$0x2];
	s4 =	simm.s32 $0x0  }
0x4: {  	s13 =	simm.s32 $0x2800;
	s14 =	simm.s32 $0x2A00;
	s15 =	simm.s32 $0x2880  }
0x5: {  	s16 =	simm.s32 $0x6A00;
	s17 =	simm.s32 $0x1;
	s18 =	simm.s32 $0x2900  }
0x6: {  	s19 =	simm.s32 $0x3;
	s20 =	simm.s32 $0x2;
	s21 =	simm.s32 $0x2980  }
0x7: {  	s22 =	simm.s32 $0x4;
	s5 =	sand.u32 $0x1, s0;
	s0 =	stileid.u32  }
0x8: {  	s23 =	simm.s32 $0x0;
	[smem:$0x7FF] =	sst s4;
	s8 =	smul.u32 $0x13C00, s0  }
0x9: {  	s2 =	sshll.u32 s5, $0x4;
	s9 =	smul.u32 $0x13C000, s5;
	s5 =	ssub.s32 $0x2, s5  }
0xa: {  	s29 =	smul.u32 $0x4F000, s0;
	s31 =	sshll.u32 s0, $0x6;
	s2 =	sor.u32 s0, s2  }
0xb: {  	s11 =	sshrl.u32 s5, $0x1;
	s7 =	smul.u32 $0x500, s2;
	s2 =	rddreg [dreg:$0x3]  }
0xc: {  	_ =	strace $0x8000004A;
	s10 =	sshrl.u32 s8, $0x3;
	s8 =	sadd.s32 s8, s9  }
0xd: {  	s11 =	ssub.s32 s5, s11;
	s30 =	sshrl.u32 s29, $0x2;
	s10 =	sadd.s32 s10, s6  }
0xe: {  	s8 =	sshrl.u32 s8, $0x3;
	s12 =	sadd.s32 s30, s3;
	s9 =	smax.u32 s11, $0x1  }
0xf: {  	s11 =	simm.s32 $0x5;
	s7 =	sadd.s32 s7, s6;
	s8 =	sadd.s32 s8, s6  }
0x10: {  	s5 =	sadd.s32 $0x5A400, s10;
	s6 =	sor.u32 $0x1C05, s31;
	s10 =	sshrl.u32 s12, $0x3  }
0x11: {  	s12 =	simm.s32 $0x80;
	s7 =	sadd.s32 $0x1400, s7;
	s8 =	sadd.s32 $0x81C00, s8  }
.LBB2_1:
0x12: {  	[spmem:s10], [sflag:s6] =	dma.local [hbm:s5], $0x2780  }
0x13: {  	_ =	swait.ge [sflag:s11], $0x2780  }
0x14: {  	[sflag:s11] =	ssyncset.done $0x0  }
0x15: {  	[sflag:s11] =	ssyncadd.s32 $0xFFFFD880  }
0x16: {  	[tilespmem:s4], [sflag:$0x5] =	stream.linear.gather [hbm4b:s7+s4], $0x2800, $0x38;
	[tilespmem:$0x1E600] =	vst v63  }
0x17: {  	_ =	swait.ge [sflag:s11], $0x2800  }
0x18: {  	[sflag:s11] =	ssyncset.done $0x0  }
0x19: {  	[sflag:s11] =	ssyncadd.s32 $0xFFFFD800  }
0x1a: {  	[bflag:$0x0] =	sbarrier.arrive $0xFFFF  }
0x1b: {  	v0 =	vld [tilespmem:$0x0];
	_ =	sdelay $0x1  }
0x1c: {  	v1 =	vld [tilespmem:$0x10];
	_ =	sdelay $0x1  }
0x1d: {  	v2 =	vld [tilespmem:$0x20]  }
0x1e: {  	v3 =	vand.u32 $0xFFFF, v0  }
0x1f: {  	v0 =	vshra.s32 v0, $0x10;
	[tilespmem:$0x2800] =	vst v3;
	v3 =	vld [tilespmem:$0x30]  }
0x20: {  	[tilespmem:$0x2900] =	vst v0;
	v0 =	vand.u32 $0xFFFF, v1  }
0x21: {  	[tilespmem:$0x2810] =	vst v0;
	v0 =	vshra.s32 v1, $0x10;
	v1 =	vld [tilespmem:$0x40]  }
0x22: {  	[tilespmem:$0x2910] =	vst v0;
	v0 =	vand.u32 $0xFFFF, v2  }
0x23: {  	[tilespmem:$0x2820] =	vst v0;
	v0 =	vshra.s32 v2, $0x10;
	v2 =	vld [tilespmem:$0x50]  }
0x24: {  	[tilespmem:$0x2920] =	vst v0;
	v0 =	vand.u32 $0xFFFF, v3  }
0x25: {  	[tilespmem:$0x2830] =	vst v0;
	v0 =	vshra.s32 v3, $0x10;
	v3 =	vld [tilespmem:$0x60]  }
0x26: {  	[tilespmem:$0x2930] =	vst v0;
	v0 =	vand.u32 $0xFFFF, v1  }
0x27: {  	[tilespmem:$0x2840] =	vst v0;
	v0 =	vshra.s32 v1, $0x10;
	v1 =	vld [tilespmem:$0x70]  }
0x28: {  	[tilespmem:$0x2940] =	vst v0;
	v0 =	vand.u32 $0xFFFF, v2  }
0x29: {  	[tilespmem:$0x2850] =	vst v0;
	v0 =	vshra.s32 v2, $0x10  }
0x2a: {  	[tilespmem:$0x2950] =	vst v0;
	v0 =	vand.u32 $0xFFFF, v3  }
0x2b: {  	[tilespmem:$0x2860] =	vst v0;
	v0 =	vshra.s32 v3, $0x10  }
0x2c: {  	[tilespmem:$0x2960] =	vst v0;
	v0 =	vand.u32 $0xFFFF, v1  }
0x2d: {  	[tilespmem:$0x2870] =	vst v0;
	v0 =	vshra.s32 v1, $0x10  }
0x2e: {  	[tilespmem:$0x2970] =	vst v0  }
0x2f: {  	[tilespmem:s14], [sflag:$0x1] =	stream.indirect.gather [hbm4b:s1+s12], $0x80, s13, s12, $0xb8;
	[tilespmem:$0x1E600] =	vst v63  }
0x30: {  	v0 =	vld [tilespmem:$0x80];
	_ =	sdelay $0x1  }
0x31: {  	v1 =	vld [tilespmem:$0x90];
	_ =	sdelay $0x1  }
0x32: {  	v2 =	vld [tilespmem:$0xA0]  }
0x33: {  	v3 =	vand.u32 $0xFFFF, v0  }
0x34: {  	v0 =	vshra.s32 v0, $0x10;
	[tilespmem:$0x2880] =	vst v3;
	v3 =	vld [tilespmem:$0xB0]  }
0x35: {  	[tilespmem:$0x2980] =	vst v0;
	v0 =	vand.u32 $0xFFFF, v1  }
0x36: {  	[tilespmem:$0x2890] =	vst v0;
	v0 =	vshra.s32 v1, $0x10;
	v1 =	vld [tilespmem:$0xC0]  }
0x37: {  	[tilespmem:$0x2990] =	vst v0;
	v0 =	vand.u32 $0xFFFF, v2  }
0x38: {  	[tilespmem:$0x28A0] =	vst v0;
	v0 =	vshra.s32 v2, $0x10;
	v2 =	vld [tilespmem:$0xD0]  }
0x39: {  	[tilespmem:$0x29A0] =	vst v0;
	v0 =	vand.u32 $0xFFFF, v3  }
0x3a: {  	[tilespmem:$0x28B0] =	vst v0;
	v0 =	vshra.s32 v3, $0x10;
	v3 =	vld [tilespmem:$0xE0]  }
0x3b: {  	[tilespmem:$0x29B0] =	vst v0;
	v0 =	vand.u32 $0xFFFF, v1  }
0x3c: {  	[tilespmem:$0x28C0] =	vst v0;
	v0 =	vshra.s32 v1, $0x10;
	v1 =	vld [tilespmem:$0xF0]  }
0x3d: {  	[tilespmem:$0x29C0] =	vst v0;
	v0 =	vand.u32 $0xFFFF, v2  }
0x3e: {  	[tilespmem:$0x28D0] =	vst v0;
	v0 =	vshra.s32 v2, $0x10  }
0x3f: {  	[tilespmem:$0x29D0] =	vst v0;
	v0 =	vand.u32 $0xFFFF, v3  }
0x40: {  	[tilespmem:$0x28E0] =	vst v0;
	v0 =	vshra.s32 v3, $0x10  }
0x41: {  	[tilespmem:$0x29E0] =	vst v0;
	v0 =	vand.u32 $0xFFFF, v1  }
0x42: {  	[tilespmem:$0x28F0] =	vst v0;
	v0 =	vshra.s32 v1, $0x10  }
0x43: {  	[tilespmem:$0x29F0] =	vst v0  }
0x44: {  	[tilespmem:s16], [sflag:$0x2] =	stream.indirect.gather [hbm4b:s1+s12], $0x80, s15, s12, $0xb8;
	[tilespmem:$0x1E600] =	vst v63  }
0x45: {  	_ =	swait.ge [sflag:s17], $0x4000  }
0x46: {  	[sflag:s17] =	ssyncset.done $0x0  }
0x47: {  	[sflag:s17] =	ssyncadd.s32 $0xFFFFC000  }
0x48: {  	[spmem:s3] =	stream.indirect.scatter.add.f32 [tilespmem:s14], [sflag:$0x3], $0x80, s18, s12, $0xb8;
	[tilespmem:$0x1E600] =	vst v63  }
0x49: {  	_ =	swait.ge [sflag:s19], $0x4000  }
0x4a: {  	[sflag:s19] =	ssyncset.done $0x0  }
0x4b: {  	s24 =	simm.s32 $0x1F0;
	[sflag:s19] =	ssyncadd.s32 $0xFFFFC000  }
0x4c: {  	v0 =	vld [tilespmem:s24+$0xFFFFFF10];
	_ =	sdelay $0x4  }
0x4d: {  	v1 =	vand.u32 $0xFFFF, v0  }
0x4e: {  	v0 =	vshra.s32 v0, $0x10;
	[tilespmem:$0x2800] =	vst v1  }
0x4f: {  	[tilespmem:$0x2900] =	vst v0  }
0x50: {  	v0 =	vld [tilespmem:s24+$0xFFFFFF20];
	_ =	sdelay $0x4  }
0x51: {  	v1 =	vand.u32 $0xFFFF, v0  }
0x52: {  	v0 =	vshra.s32 v0, $0x10;
	[tilespmem:$0x2810] =	vst v1  }
0x53: {  	[tilespmem:$0x2910] =	vst v0  }
0x54: {  	v0 =	vld [tilespmem:s24+$0xFFFFFF30];
	_ =	sdelay $0x4  }
0x55: {  	v1 =	vand.u32 $0xFFFF, v0  }
0x56: {  	v0 =	vshra.s32 v0, $0x10;
	[tilespmem:$0x2820] =	vst v1  }
0x57: {  	[tilespmem:$0x2920] =	vst v0  }
0x58: {  	v0 =	vld [tilespmem:s24+$0xFFFFFF40];
	_ =	sdelay $0x4  }
0x59: {  	v1 =	vand.u32 $0xFFFF, v0  }
0x5a: {  	v0 =	vshra.s32 v0, $0x10;
	[tilespmem:$0x2830] =	vst v1  }
0x5b: {  	[tilespmem:$0x2930] =	vst v0  }
0x5c: {  	v0 =	vld [tilespmem:s24+$0xFFFFFF50];
	_ =	sdelay $0x4  }
0x5d: {  	v1 =	vand.u32 $0xFFFF, v0  }
0x5e: {  	v0 =	vshra.s32 v0, $0x10;
	[tilespmem:$0x2840] =	vst v1  }
0x5f: {  	[tilespmem:$0x2940] =	vst v0  }
0x60: {  	v0 =	vld [tilespmem:s24+$0xFFFFFF60];
	_ =	sdelay $0x4  }
0x61: {  	v1 =	vand.u32 $0xFFFF, v0  }
0x62: {  	v0 =	vshra.s32 v0, $0x10;
	[tilespmem:$0x2850] =	vst v1  }
0x63: {  	[tilespmem:$0x2950] =	vst v0  }
0x64: {  	v0 =	vld [tilespmem:s24+$0xFFFFFF70];
	_ =	sdelay $0x4  }
0x65: {  	v1 =	vand.u32 $0xFFFF, v0  }
0x66: {  	v0 =	vshra.s32 v0, $0x10;
	[tilespmem:$0x2860] =	vst v1  }
0x67: {  	[tilespmem:$0x2960] =	vst v0  }
0x68: {  	v0 =	vld [tilespmem:s24+$0xFFFFFF80];
	_ =	sdelay $0x4  }
0x69: {  	v1 =	vand.u32 $0xFFFF, v0  }
0x6a: {  	v0 =	vshra.s32 v0, $0x10;
	[tilespmem:$0x2870] =	vst v1  }
0x6b: {  	[tilespmem:$0x2970] =	vst v0  }
0x6c: {  	[tilespmem:s14], [sflag:$0x1] =	stream.indirect.gather [hbm4b:s1+s12], $0x80, s13, s12, $0xb8;
	[tilespmem:$0x1E600] =	vst v63  }
0x6d: {  	_ =	swait.ge [sflag:s20], $0x4000  }
0x6e: {  	[sflag:s20] =	ssyncset.done $0x0  }
0x6f: {  	[sflag:s20] =	ssyncadd.s32 $0xFFFFC000  }
0x70: {  	[spmem:s3] =	stream.indirect.scatter.add.f32 [tilespmem:s16], [sflag:$0x4], $0x80, s21, s12, $0xb8;
	[tilespmem:$0x1E600] =	vst v63  }
0x71: {  	_ =	swait.ge [sflag:s22], $0x4000  }
0x72: {  	[sflag:s22] =	ssyncset.done $0x0  }
0x73: {  	[sflag:s22] =	ssyncadd.s32 $0xFFFFC000  }
0x74: {  	v0 =	vld [tilespmem:s24+$0xFFFFFF90];
	_ =	sdelay $0x4  }
0x75: {  	v1 =	vand.u32 $0xFFFF, v0  }
0x76: {  	v0 =	vshra.s32 v0, $0x10;
	[tilespmem:$0x2880] =	vst v1  }
0x77: {  	[tilespmem:$0x2980] =	vst v0  }
0x78: {  	v0 =	vld [tilespmem:s24+$0xFFFFFFA0];
	_ =	sdelay $0x4  }
0x79: {  	v1 =	vand.u32 $0xFFFF, v0  }
0x7a: {  	v0 =	vshra.s32 v0, $0x10;
	[tilespmem:$0x2890] =	vst v1  }
0x7b: {  	[tilespmem:$0x2990] =	vst v0  }
0x7c: {  	v0 =	vld [tilespmem:s24+$0xFFFFFFB0];
	_ =	sdelay $0x4  }
0x7d: {  	v1 =	vand.u32 $0xFFFF, v0  }
0x7e: {  	v0 =	vshra.s32 v0, $0x10;
	[tilespmem:$0x28A0] =	vst v1  }
0x7f: {  	[tilespmem:$0x29A0] =	vst v0  }
0x80: {  	v0 =	vld [tilespmem:s24+$0xFFFFFFC0];
	_ =	sdelay $0x4  }
0x81: {  	v1 =	vand.u32 $0xFFFF, v0  }
0x82: {  	v0 =	vshra.s32 v0, $0x10;
	[tilespmem:$0x28B0] =	vst v1  }
0x83: {  	[tilespmem:$0x29B0] =	vst v0  }
0x84: {  	v0 =	vld [tilespmem:s24+$0xFFFFFFD0];
	_ =	sdelay $0x4  }
0x85: {  	v1 =	vand.u32 $0xFFFF, v0  }
0x86: {  	v0 =	vshra.s32 v0, $0x10;
	[tilespmem:$0x28C0] =	vst v1  }
0x87: {  	[tilespmem:$0x29C0] =	vst v0  }
0x88: {  	v0 =	vld [tilespmem:s24+$0xFFFFFFE0];
	_ =	sdelay $0x4  }
0x89: {  	v1 =	vand.u32 $0xFFFF, v0  }
0x8a: {  	v0 =	vshra.s32 v0, $0x10;
	[tilespmem:$0x28D0] =	vst v1  }
0x8b: {  	[tilespmem:$0x29D0] =	vst v0  }
0x8c: {  	v0 =	vld [tilespmem:s24+$0xFFFFFFF0];
	_ =	sdelay $0x4  }
0x8d: {  	v1 =	vand.u32 $0xFFFF, v0  }
0x8e: {  	s25 =	simm.s32 $0xBC0;
	v0 =	vshra.s32 v0, $0x10;
	[tilespmem:$0x28E0] =	vst v1  }
.LBB2_2:
0x8f: {  	p0 =	sne.s32 s25, $0x9FC0;
	[tilespmem:$0x29E0] =	vst v0;
	s26 =	smov.u32 s25;
	s25 =	sadd.s32 $0x400, s25  }
0x90: {  	v0 =	vld [tilespmem:s24+$0x0];
	_ =	sdelay $0x4  }
0x91: {  	v1 =	vand.u32 $0xFFFF, v0;
	v0 =	vshra.s32 v0, $0x10  }
0x92: {  	[tilespmem:$0x28F0] =	vst v1  }
0x93: {  	[tilespmem:$0x29F0] =	vst v0  }
0x94: {  	[tilespmem:s16], [sflag:$0x2] =	stream.indirect.gather [hbm4b:s1+s12], $0x80, s15, s12, $0xb8;
	[tilespmem:$0x1E600] =	vst v63  }
0x95: {  	_ =	swait.ge [sflag:s17], $0x4000  }
0x96: {  	[sflag:s17] =	ssyncset.done $0x0  }
0x97: {  	[sflag:s17] =	ssyncadd.s32 $0xFFFFC000  }
0x98: {  	[spmem:s3] =	stream.indirect.scatter.add.f32 [tilespmem:s14], [sflag:$0x3], $0x80, s18, s12, $0xb8;
	[tilespmem:$0x1E600] =	vst v63  }
0x99: {  	_ =	swait.ge [sflag:s19], $0x4000  }
0x9a: {  	[sflag:s19] =	ssyncset.done $0x0  }
0x9b: {  	s24 =	sshra.s32 s26, $0x2;
	[sflag:s19] =	ssyncadd.s32 $0xFFFFC000  }
0x9c: {  	v0 =	vld [tilespmem:s24+$0xFFFFFF10];
	_ =	sdelay $0x4  }
0x9d: {  	v1 =	vand.u32 $0xFFFF, v0;
	v0 =	vshra.s32 v0, $0x10  }
0x9e: {  	[tilespmem:$0x2800] =	vst v1  }
0x9f: {  	[tilespmem:$0x2900] =	vst v0  }
0xa0: {  	v0 =	vld [tilespmem:s24+$0xFFFFFF20];
	_ =	sdelay $0x4  }
0xa1: {  	v1 =	vand.u32 $0xFFFF, v0;
	v0 =	vshra.s32 v0, $0x10  }
0xa2: {  	[tilespmem:$0x2810] =	vst v1  }
0xa3: {  	[tilespmem:$0x2910] =	vst v0  }
0xa4: {  	v0 =	vld [tilespmem:s24+$0xFFFFFF30];
	_ =	sdelay $0x4  }
0xa5: {  	v1 =	vand.u32 $0xFFFF, v0;
	v0 =	vshra.s32 v0, $0x10  }
0xa6: {  	[tilespmem:$0x2820] =	vst v1  }
0xa7: {  	[tilespmem:$0x2920] =	vst v0  }
0xa8: {  	v0 =	vld [tilespmem:s24+$0xFFFFFF40];
	_ =	sdelay $0x4  }
0xa9: {  	v1 =	vand.u32 $0xFFFF, v0;
	v0 =	vshra.s32 v0, $0x10  }
0xaa: {  	[tilespmem:$0x2830] =	vst v1  }
0xab: {  	[tilespmem:$0x2930] =	vst v0  }
0xac: {  	v0 =	vld [tilespmem:s24+$0xFFFFFF50];
	_ =	sdelay $0x4  }
0xad: {  	v1 =	vand.u32 $0xFFFF, v0;
	v0 =	vshra.s32 v0, $0x10  }
0xae: {  	[tilespmem:$0x2840] =	vst v1  }
0xaf: {  	[tilespmem:$0x2940] =	vst v0  }
0xb0: {  	v0 =	vld [tilespmem:s24+$0xFFFFFF60];
	_ =	sdelay $0x4  }
0xb1: {  	v1 =	vand.u32 $0xFFFF, v0;
	v0 =	vshra.s32 v0, $0x10  }
0xb2: {  	[tilespmem:$0x2850] =	vst v1  }
0xb3: {  	[tilespmem:$0x2950] =	vst v0  }
0xb4: {  	v0 =	vld [tilespmem:s24+$0xFFFFFF70];
	_ =	sdelay $0x4  }
0xb5: {  	v1 =	vand.u32 $0xFFFF, v0;
	v0 =	vshra.s32 v0, $0x10  }
0xb6: {  	[tilespmem:$0x2860] =	vst v1  }
0xb7: {  	[tilespmem:$0x2960] =	vst v0  }
0xb8: {  	v0 =	vld [tilespmem:s24+$0xFFFFFF80];
	_ =	sdelay $0x4  }
0xb9: {  	v1 =	vand.u32 $0xFFFF, v0;
	v0 =	vshra.s32 v0, $0x10  }
0xba: {  	[tilespmem:$0x2870] =	vst v1  }
0xbb: {  	[tilespmem:$0x2970] =	vst v0  }
0xbc: {  	[tilespmem:s14], [sflag:$0x1] =	stream.indirect.gather [hbm4b:s1+s12], $0x80, s13, s12, $0xb8;
	[tilespmem:$0x1E600] =	vst v63  }
0xbd: {  	_ =	swait.ge [sflag:s20], $0x4000  }
0xbe: {  	[sflag:s20] =	ssyncset.done $0x0  }
0xbf: {  	[sflag:s20] =	ssyncadd.s32 $0xFFFFC000  }
0xc0: {  	[spmem:s3] =	stream.indirect.scatter.add.f32 [tilespmem:s16], [sflag:$0x4], $0x80, s21, s12, $0xb8;
	[tilespmem:$0x1E600] =	vst v63  }
0xc1: {  	_ =	swait.ge [sflag:s22], $0x4000  }
0xc2: {  	[sflag:s22] =	ssyncset.done $0x0  }
0xc3: {  	[sflag:s22] =	ssyncadd.s32 $0xFFFFC000  }
0xc4: {  	v0 =	vld [tilespmem:s24+$0xFFFFFF90];
	_ =	sdelay $0x4  }
0xc5: {  	v1 =	vand.u32 $0xFFFF, v0;
	v0 =	vshra.s32 v0, $0x10  }
0xc6: {  	[tilespmem:$0x2880] =	vst v1  }
0xc7: {  	[tilespmem:$0x2980] =	vst v0  }
0xc8: {  	v0 =	vld [tilespmem:s24+$0xFFFFFFA0];
	_ =	sdelay $0x4  }
0xc9: {  	v1 =	vand.u32 $0xFFFF, v0;
	v0 =	vshra.s32 v0, $0x10  }
0xca: {  	[tilespmem:$0x2890] =	vst v1  }
0xcb: {  	[tilespmem:$0x2990] =	vst v0  }
0xcc: {  	v0 =	vld [tilespmem:s24+$0xFFFFFFB0];
	_ =	sdelay $0x4  }
0xcd: {  	v1 =	vand.u32 $0xFFFF, v0;
	v0 =	vshra.s32 v0, $0x10  }
0xce: {  	[tilespmem:$0x28A0] =	vst v1  }
0xcf: {  	[tilespmem:$0x29A0] =	vst v0  }
0xd0: {  	v0 =	vld [tilespmem:s24+$0xFFFFFFC0];
	_ =	sdelay $0x4  }
0xd1: {  	v1 =	vand.u32 $0xFFFF, v0;
	v0 =	vshra.s32 v0, $0x10  }
0xd2: {  	[tilespmem:$0x28B0] =	vst v1  }
0xd3: {  	[tilespmem:$0x29B0] =	vst v0  }
0xd4: {  	v0 =	vld [tilespmem:s24+$0xFFFFFFD0];
	_ =	sdelay $0x4  }
0xd5: {  	v1 =	vand.u32 $0xFFFF, v0;
	v0 =	vshra.s32 v0, $0x10  }
0xd6: {  	[tilespmem:$0x28C0] =	vst v1  }
0xd7: {  	[tilespmem:$0x29C0] =	vst v0  }
0xd8: {  	v0 =	vld [tilespmem:s24+$0xFFFFFFE0];
	_ =	sdelay $0x4  }
0xd9: {  	v1 =	vand.u32 $0xFFFF, v0;
	v0 =	vshra.s32 v0, $0x10  }
0xda: {  	[tilespmem:$0x28D0] =	vst v1  }
0xdb: {  	[tilespmem:$0x29D0] =	vst v0  }
0xdc: {  	v0 =	vld [tilespmem:s24+$0xFFFFFFF0];
	_ =	sdelay $0x1  }
.Ltmp0:
0xdd: {  	(pc) =	sbr.rel @p0 .LBB2_2-.Ltmp0, $3  }
0xde: {  	_ =	sdelay $0x1  }
0xdf: {  	v1 =	vand.u32 $0xFFFF, v0;
	v0 =	vshra.s32 v0, $0x10  }
0xe0: {  	[tilespmem:$0x28E0] =	vst v1  }
0xe1: {  	[tilespmem:$0x29E0] =	vst v0  }
0xe2: {  	v0 =	vld [tilespmem:s24+$0x0];
	_ =	sdelay $0x4  }
0xe3: {  	v1 =	vand.u32 $0xFFFF, v0  }
0xe4: {  	v0 =	vshra.s32 v0, $0x10;
	[tilespmem:$0x28F0] =	vst v1  }
0xe5: {  	[tilespmem:$0x29F0] =	vst v0  }
0xe6: {  	[tilespmem:s16], [sflag:$0x2] =	stream.indirect.gather [hbm4b:s1+s12], $0x80, s15, s12, $0xb8;
	[tilespmem:$0x1E600] =	vst v63  }
0xe7: {  	_ =	swait.ge [sflag:s17], $0x4000  }
0xe8: {  	[sflag:s17] =	ssyncset.done $0x0  }
0xe9: {  	[sflag:s17] =	ssyncadd.s32 $0xFFFFC000  }
0xea: {  	[spmem:s3] =	stream.indirect.scatter.add.f32 [tilespmem:s14], [sflag:$0x3], $0x80, s18, s12, $0xb8;
	[tilespmem:$0x1E600] =	vst v63  }
0xeb: {  	_ =	swait.ge [sflag:s19], $0x4000  }
0xec: {  	[sflag:s19] =	ssyncset.done $0x0  }
0xed: {  	[sflag:s19] =	ssyncadd.s32 $0xFFFFC000  }
0xee: {  	_ =	swait.ge [sflag:s20], $0x4000  }
0xef: {  	[sflag:s20] =	ssyncset.done $0x0  }
0xf0: {  	[sflag:s20] =	ssyncadd.s32 $0xFFFFC000  }
0xf1: {  	[spmem:s3] =	stream.indirect.scatter.add.f32 [tilespmem:s16], [sflag:$0x4], $0x80, s21, s12, $0xb8;
	[tilespmem:$0x1E600] =	vst v63  }
0xf2: {  	_ =	swait.ge [sflag:s22], $0x4000  }
0xf3: {  	s23 =	sadd.s32 $0x1, s23;
	[sflag:s22] =	ssyncset.done $0x0  }
0xf4: {  	p0 =	sne.s32 s23, s9;
	[sflag:s22] =	ssyncadd.s32 $0xFFFFC000  }
.Ltmp1:
0xf5: {  	[bflag:$0x0] =	sbarrier.arrive $0xFFFF;
	(pc) =	sbr.rel @p0 .LBB2_1-.Ltmp1, $4  }
0xf6: {  	[hbm:s8], [sflag:s6] =	dma.local [spmem:s10], $0x2780  }
0xf7: {  	_ =	swait.ge [sflag:s11], $0x2780  }
0xf8: {  	[sflag:s11] =	ssyncset.done $0x0  }
0xf9: {  	[sflag:s11] =	ssyncadd.s32 $0xFFFFD880  }
0xfa: {  	_ =	sfence.sel $0x180000  }
0xfb: {  	[bflag:$0x0] =	sbarrier.arrive $0xFFFF  }
0xfc: {  	p0 =	sne.s32 s0, $0x0;
	_ =	strace $0x9000004A  }
0xfd: {  	s0 =	sadd.s32 @!p0 $0x100000, s2;
	[bflag:$0x2] =	sbarrier.arrive $0xFFFF  }
0xfe: {  	[sflag:s0] =	ssyncadd.tile.s32 @!p0 $0x1;
	_ =	shalt  }
.Lfunc_end2:
_tile_overlayer_lowered:
.L_overlay_start_2:
0xff: {  	(tag) =	ssettag $0x2  }
0x100: {  	s0 =	rddreg [dreg:$0x0];
	s2 =	stileid.u32  }
0x101: {  	s1 =	rddreg [dreg:$0x1];
	p0 =	sne.s32 s2, $0x0  }
0x102: {  	s3 =	rddreg [dreg:$0x2];
	[bflag:$0x3] =	sbarrier.arrive $0xFFFF;
	s2 =	simm.s32 @!p0 $0x1C05  }
0x103: {  	[timem:s3], [sflag:s2] =	dma.local @!p0 [hbm:s0], s1  }
0x104: {  	s0 =	simm.s32 @!p0 $0x5  }
0x105: {  	_ =	swait.ge @!p0 [sflag:s0], s1  }
0x106: {  	s1 =	ssub.s32 @!p0 $0x0, s1;
	[sflag:s0] =	ssyncset.done @!p0 $0x0  }
0x107: {  	[sflag:s0] =	ssyncadd.s32 @!p0 s1  }
0x108: {  	[bflag:$0x3] =	sbarrier.arrive $0xFFFF  }
0x109: {  	_ =	shalt  }

// kernel: kernel.7.cloned.1.call-start
scs
__scs_entry_jumppad:
0x0: {  	(pc) =	sbr.rel $0x88, $3  }
0x1: {  	(tag) =	ssettag $0x0;
	lr =	simm.s32 $0x1  }
0x2: {  	[smem:$0x3F9C] =	sst lr;
	_ =	strace $0xD0000000  }
0x3: {  	_ = 	snop  }
0x4: {  	_ = 	snop  }
0x5: {  	_ = 	snop  }
0x6: {  	_ = 	snop  }
0x7: {  	_ = 	snop  }
__scs_overlays_trampoline_lowered:
0x8: {  	[smem:$0x3FAB] =	sst s0  }
0x9: {  	[smem:$0x3FAC] =	sst s1  }
0xa: {  	[smem:$0x3FAD] =	sst s2  }
0xb: {  	[smem:$0x3FAE] =	sst s3  }
0xc: {  	[smem:$0x3FAF] =	sst s4  }
0xd: {  	[smem:$0x3FB0] =	sst s5  }
0xe: {  	[smem:$0x3FB1] =	sst s6  }
0xf: {  	[smem:$0x3FB2] =	sst s7  }
0x10: {  	[smem:$0x3FB3] =	sst s8  }
0x11: {  	[smem:$0x3FB4] =	sst s9;
	s0 =	simm.s32 @!p0 $0x0  }
0x12: {  	s1 =	sld [smem:$0x3F9A];
	s0 =	simm.s32 @p0 $0x1  }
0x13: {  	[smem:$0x3FB5] =	sst s0;
	s0 =	simm.s32 @!p1 $0x0  }
0x14: {  	s2 =	sld [smem:$0x3F99];
	s0 =	simm.s32 @p1 $0x1  }
0x15: {  	[smem:$0x3FB6] =	sst s0;
	s0 =	simm.s32 @!p2 $0x0  }
0x16: {  	s3 =	sld [smem:$0x3FDB];
	s0 =	simm.s32 @p2 $0x1  }
0x17: {  	s4 =	simm.s32 $0x1BF5;
	[smem:$0x3FB8] =	sst s0  }
0x18: {  	s0 =	sld [smem:$0x3F9B];
	_ =	swait.ge [sflag:s4], $0x0  }
0x19: {  	s7 =	sld [smem:$0x3F9C]  }
0x1a: {  	s8 =	sadd.s32 $0xFFFFE003, lr  }
0x1b: {  	s9 =	sadd.s32 $0xFFFFFEF7, lr;
	s5 =	simm.s32 $0xFFFFFFFF;
	p2 =	slt.u32 s8, $0xFFFFF086  }
0x1c: {  	p1 =	slt.u32 s9, $0xF7A;
	s5 =	simm.s32 @!p2 $0x0  }
0x1d: {  	s5 =	simm.s32 @p1 $0x1;
	p0 =	seq.s32 s7, s2  }
0x1e: {  	s7 =	smul.u32 @!p0 $0xF7A, s2;
	p2 =	seq.s32 @!p0 s5, $0x0  }
0x1f: {  	s9 =	smul.u32 $0xF7A, s1;
	s8 =	simm.s32 @!p0 $0x1BF5;
	p2 =	por !p2, p0  }
0x20: {  	[sflag:s8] =	ssyncset.s32 @!p0 $0xFFFFF086;
	s6 =	sadd.s32 @!p0 s3, s7;
	s7 =	simm.s32 @!p0 $0x108  }
0x21: {  	s3 =	sadd.s32 s3, s9;
	s6 =	sadd.s32 @!p0 $0x88, s6;
	s7 =	simm.s32 @p2 $0x1082  }
0x22: {  	[simem:s7], [sflag:s8] =	dma.local @!p0 [hbm:s6], $0xF7A  }
0x23: {  	s9 =	sor.u32 $0xD0000000, s2;
	s6 =	simm.s32 $0x108;
	_ =	swait.ge @!p0 [sflag:s8], $0x0  }
0x24: {  	s3 =	sadd.s32 $0x88, s3;
	s6 =	simm.s32 @!p1 $0x1082;
	[sflag:s4] =	ssyncset.s32 $0xFFFFF086  }
0x25: {  	[simem:s6], [sflag:s4] =	dma.local [hbm:s3], $0xF7A  }
0x26: {  	[smem:$0x3F9C] =	sst s1;
	(tag) =	ssettag s2;
	_ =	strace s9  }
0x27: {  	s1 =	sld [smem:$0x3FAC]  }
0x28: {  	s2 =	sld [smem:$0x3FAD]  }
0x29: {  	s4 =	sld [smem:$0x3FAF]  }
0x2a: {  	p0 =	seq.s32 s5, $0x0;
	s5 =	sld [smem:$0x3FB0]  }
0x2b: {  	s6 =	sld [smem:$0x3FB1]  }
0x2c: {  	s7 =	sld [smem:$0x3FB2]  }
0x2d: {  	s3 =	simm.s32 $0x108;
	s8 =	sld [smem:$0x3FB3]  }
0x2e: {  	s3 =	simm.s32 @!p0 $0x1082;
	s9 =	sld [smem:$0x3FB4]  }
0x2f: {  	lr =	sadd.s32 s0, s3;
	s0 =	sld [smem:$0x3FAB]  }
0x30: {  	s3 =	sld [smem:$0x3FAE]  }
0x31: {  	[smem:$0x3FB7] =	sst s10  }
0x32: {  	s10 =	sld [smem:$0x3FB5];
	_ =	sdelay $0x3  }
0x33: {  	p0 =	seq.s32 s10, $0x1;
	s10 =	sld [smem:$0x3FB7];
	_ =	sdelay $0x3  }
0x34: {  	[smem:$0x3FB7] =	sst s10  }
0x35: {  	s10 =	sld [smem:$0x3FB6];
	_ =	sdelay $0x3  }
0x36: {  	p1 =	seq.s32 s10, $0x1;
	s10 =	sld [smem:$0x3FB7];
	_ =	sdelay $0x3  }
0x37: {  	[smem:$0x3FB7] =	sst s10  }
0x38: {  	s10 =	sld [smem:$0x3FB8]  }
0x39: {  	_ = 	snop;
	(pc) =	sbr.ind lr, $3  }
0x3a: {  	_ = 	snop  }
0x3b: {  	_ = 	snop  }
0x3c: {  	p2 =	seq.s32 s10, $0x1;
	s10 =	sld [smem:$0x3FB7]  }
0x3d: {  	_ =	shalt  }
0x3e: {  	_ =	shalt  }
0x3f: {  	_ =	shalt  }
0x40: {  	_ =	shalt  }
0x41: {  	_ =	shalt  }
0x42: {  	_ =	shalt  }
0x43: {  	_ =	shalt  }
0x44: {  	_ =	shalt  }
0x45: {  	_ =	shalt  }
0x46: {  	_ =	shalt  }
0x47: {  	_ =	shalt  }
0x48: {  	_ =	shalt  }
0x49: {  	_ =	shalt  }
0x4a: {  	_ =	shalt  }
0x4b: {  	_ =	shalt  }
0x4c: {  	_ =	shalt  }
0x4d: {  	_ =	shalt  }
0x4e: {  	_ =	shalt  }
0x4f: {  	_ =	shalt  }
0x50: {  	_ =	shalt  }
0x51: {  	_ =	shalt  }
0x52: {  	_ =	shalt  }
0x53: {  	_ =	shalt  }
0x54: {  	_ =	shalt  }
0x55: {  	_ =	shalt  }
0x56: {  	_ =	shalt  }
0x57: {  	_ =	shalt  }
0x58: {  	_ =	shalt  }
0x59: {  	_ =	shalt  }
0x5a: {  	_ =	shalt  }
0x5b: {  	_ =	shalt  }
0x5c: {  	_ =	shalt  }
0x5d: {  	_ =	shalt  }
0x5e: {  	_ =	shalt  }
0x5f: {  	_ =	shalt  }
0x60: {  	_ =	shalt  }
0x61: {  	_ =	shalt  }
0x62: {  	_ =	shalt  }
0x63: {  	_ =	shalt  }
0x64: {  	_ =	shalt  }
0x65: {  	_ =	shalt  }
0x66: {  	_ =	shalt  }
0x67: {  	_ =	shalt  }
0x68: {  	_ =	shalt  }
0x69: {  	_ =	shalt  }
0x6a: {  	_ =	shalt  }
0x6b: {  	_ =	shalt  }
0x6c: {  	_ =	shalt  }
0x6d: {  	_ =	shalt  }
0x6e: {  	_ =	shalt  }
0x6f: {  	_ =	shalt  }
0x70: {  	_ =	shalt  }
0x71: {  	_ =	shalt  }
0x72: {  	_ =	shalt  }
0x73: {  	_ =	shalt  }
0x74: {  	_ =	shalt  }
0x75: {  	_ =	shalt  }
0x76: {  	_ =	shalt  }
0x77: {  	_ =	shalt  }
0x78: {  	_ =	shalt  }
0x79: {  	_ =	shalt  }
0x7a: {  	_ =	shalt  }
0x7b: {  	_ =	shalt  }
0x7c: {  	_ =	shalt  }
0x7d: {  	_ =	shalt  }
0x7e: {  	_ =	shalt  }
0x7f: {  	_ =	shalt  }
0x80: {  	_ =	shalt  }
0x81: {  	_ =	shalt  }
0x82: {  	_ =	shalt  }
0x83: {  	_ =	shalt  }
0x84: {  	_ =	shalt  }
0x85: {  	_ =	shalt  }
0x86: {  	_ =	shalt  }
0x87: {  	_ =	shalt  }
.Lfunc_end0:
.L_simem_size_0:
called_computation_lowered:
.L_overlay_start_0:
0x88: {  	s2 =	sld [smem:$0x3FD9]  }
0x89: {  	s3 =	sld [smem:$0x3FFE];
	_ =	sdelay $0x1  }
0x8a: {  	s1 =	srdreg.scid  }
0x8b: {  	s0 =	sand.u32 $0x1, s1  }
0x8c: {  	s17 =	sshll.u32 s0, $0xA;
	s2 =	sadd.s32 s3, s2  }
0x8d: {  	s2 =	sadd.s32 s2, s17  }
0x8e: {  	[smem:$0x3FC3] =	sst s2  }
0x8f: {  	_ = 	snop  }
0x90: {  	s2 =	sld [smem:$0x3FD0];
	(tm) =	ssettm $0x1  }
0x91: {  	s18 =	sld [smem:$0x3FFB];
	_ =	sdelay $0x3  }
0x92: {  	_ =	strace s18  }
0x93: {  	s3 =	sld [smem:$0x3FFC];
	_ =	sdelay $0x3  }
0x94: {  	_ =	strace s3  }
0x95: {  	s3 =	sld [smem:$0x3FFD];
	_ =	sdelay $0x3  }
0x96: {  	_ =	strace s3  }
0x97: {  	_ =	strace $0x8FFFFFFF  }
0x98: {  	s19 =	sld [smem:$0x3FDB];
	_ =	sdelay $0x1  }
0x99: {  	s4 =	simm.s32 $_scs_section_size  }
0x9a: {  	s5 =	simm.s32 $_size__tile_overlayer_lowered;
	s6 =	simm.s32 $_tile_overlayer_lowered  }
0x9b: {  	s22 =	simm.s32 $0x1BFF;
	s21 =	sshll.u32 s6, $0x1;
	s3 =	sadd.s32 s4, s19  }
0x9c: {  	s7 =	simm.s32 $0x0;
	s20 =	sshll.u32 s5, $0x1;
	s5 =	sadd.s32 s21, s3  }
0x9d: {  	[timem:s7], [sflag:s22] =	dma.local [hbm:s5], s20  }
0x9e: {  	_ =	swait.ge [sflag:s22], s20  }
0x9f: {  	s4 =	ssub.s32 $0x0, s20;
	[sflag:s22] =	ssyncset.done $0x0  }
0xa0: {  	[sflag:s22] =	ssyncadd.s32 s4;
	_ =	sdelay $0x1  }
0xa1: {  	s23 =	simm.s32 $0x1B8B  }
0xa2: {  	_ =	swait.ge [sflag:s23], $0x1  }
0xa3: {  	[sflag:s23] =	ssyncset.done $0x0  }
0xa4: {  	s25 =	simm.s32 $0x1B8E;
	s24 =	sld [smem:$0x3FFE];
	[sflag:s23] =	ssyncadd.s32 $0xFFFFFFFF  }
0xa5: {  	s26 =	simm.s32 $execute0_lowered;
	[smem:$0x3FD2] =	sst s25  }
0xa6: {  	s5 =	sshll.u32 s26, $0x1;
	_ =	strace $0x80000046;
	[dreg:$0x1] =	wrdreg $0xFFFFFFFF  }
0xa7: {  	s28 =	simm.s32 $_size_execute0_lowered;
	s3 =	sadd.s32 s3, s5;
	[dreg:$0x0] =	wrdreg $0x0  }
0xa8: {  	s5 =	sshll.u32 s28, $0x1;
	[dreg:$0x2] =	wrdreg s3  }
0xa9: {  	[dreg:$0x3] =	wrdreg s5  }
0xaa: {  	[dreg:$0x4] =	wrdreg $0xC0  }
0xab: {  	_ =	task [dreg:s7], $0x5FFFF  }
0xac: {  	[dreg:$0x1] =	wrdreg $0xFFFFFFFF  }
0xad: {  	[dreg:$0x0] =	wrdreg $0x60  }
0xae: {  	[dreg:$0x2] =	wrdreg s24  }
0xaf: {  	[dreg:$0x3] =	wrdreg s2  }
0xb0: {  	[dreg:$0x4] =	wrdreg $0x31000  }
0xb1: {  	[dreg:$0x5] =	wrdreg $0x9  }
0xb2: {  	_ =	task.clear_ibuf [dreg:s7], $0x6FFFF;
	_ =	strace $0x90000046  }
0xb3: {  	s29 =	simm.s32 $0x9;
	_ =	strace $0x80000048  }
0xb4: {  	_ =	swait.ge [sflag:s29], $0x1  }
0xb5: {  	[sflag:s29] =	ssyncadd.s32 $0xFFFFFFFF  }
0xb6: {  	_ =	strace $0x90000048  }
0xb7: {  	_ =	sfence  }
0xb8: {  	s30 =	sld [smem:$0x0];
	_ =	sdelay $0x2  }
0xb9: {  	s31 =	sshll.u32 s1, $0xD;
	s1 =	sshrl.u32 s1, $0x2  }
0xba: {  	s3 =	sand.u32 $0x4000, s31;
	s1 =	sadd.s32 s1, s30  }
0xbb: {  	s0 =	sor.u32 s3, s0;
	s1 =	sshll.u32 s1, $0x11  }
0xbc: {  	s0 =	sor.u32 s1, s0  }
0xbd: {  	s0 =	sadd.s32 $0x8F2B, s0  }
0xbe: {  	[sflag:s0] =	ssyncadd.remote.s32 $0x1  }
0xbf: {  	_ =	sfence.sel $0xFFFF  }
0xc0: {  	[dreg:$0x0] =	wrdreg $0xFFFFFFFF;
	(pc) =	sbr.abs _section_cstart, $3  }
0xc1: {  	[dreg:$0x1] =	wrdreg $0xFFFFFFFF  }
0xc2: {  	_ =	task.clear_ibuf [dreg:s7], $0x2FFFF;
	_ =	strace $0x9FFFFFFF  }
0xc3: {  	(tm) =	ssettm $0x7FFFFFFF  }
tec
execute0_lowered:
.L_overlay_start_1:
0x0: {  	(tag) =	ssettag $0x1  }
0x1: {  	s4 =	rddreg [dreg:$0x0]  }
0x2: {  	s8 =	rddreg [dreg:$0x1]  }
0x3: {  	s0 =	srdreg.scid;
	s2 =	rddreg [dreg:$0x2]  }
0x4: {  	s3 =	simm.s32 $0x0;
	s13 =	simm.s32 $0x80;
	s14 =	simm.s32 $0x3000  }
0x5: {  	s15 =	simm.s32 $0x3080;
	s16 =	simm.s32 $0x1;
	s17 =	simm.s32 $0x2  }
0x6: {  	s18 =	simm.s32 $0x0;
	s5 =	sand.u32 $0x1, s0;
	s0 =	stileid.u32  }
0x7: {  	[smem:$0x7FF] =	sst s3;
	s1 =	sshll.u32 s5, $0x4;
	s7 =	smul.u32 $0x2780, s0  }
0x8: {  	s29 =	ssub.s32 $0x2, s5;
	s5 =	smul.u32 $0x27800, s5;
	s30 =	sshll.u32 s0, $0x6  }
0x9: {  	s6 =	sor.u32 s0, s1;
	s1 =	rddreg [dreg:$0x3];
	_ =	strace $0x80000047  }
0xa: {  	s11 =	sshrl.u32 s29, $0x1;
	s6 =	smul.u32 $0x500, s6;
	s10 =	sshrl.u32 s7, $0x3  }
0xb: {  	s11 =	ssub.s32 s29, s11;
	s12 =	sadd.s32 s7, s2;
	s7 =	sadd.s32 s7, s5  }
0xc: {  	s10 =	sadd.s32 s10, s4;
	s31 =	sshrl.u32 s7, $0x3;
	s9 =	sadd.s32 s6, s4  }
0xd: {  	s4 =	sadd.s32 $0xB400, s4;
	s5 =	sadd.s32 $0xB600, s10;
	s6 =	sor.u32 $0x1C03, s30  }
0xe: {  	s8 =	sadd.s32 s8, s31;
	s10 =	sshrl.u32 s12, $0x3;
	s12 =	simm.s32 $0x2800  }
0xf: {  	s7 =	sadd.s32 $0x1400, s9;
	s9 =	smax.u32 s11, $0x1;
	s11 =	simm.s32 $0x3  }
.LBB2_1:
0x10: {  	[spmem:s10], [sflag:s6] =	dma.local [hbm:s5], $0x4F0  }
0x11: {  	_ =	swait.ge [sflag:s11], $0x4F0  }
0x12: {  	[sflag:s11] =	ssyncset.done $0x0  }
0x13: {  	[sflag:s11] =	ssyncadd.s32 $0xFFFFFB10  }
0x14: {  	[tilespmem:s12], [sflag:$0x3] =	stream.linear.gather [hbm4b:s4+s3], $0x800, $0x38;
	[tilespmem:$0x5880] =	vst v63  }
0x15: {  	_ =	swait.ge [sflag:s11], $0x800  }
0x16: {  	[sflag:s11] =	ssyncset.done $0x0  }
0x17: {  	[sflag:s11] =	ssyncadd.s32 $0xFFFFF800  }
0x18: {  	[tilespmem:s3], [sflag:$0x3] =	stream.linear.gather [hbm4b:s7+s3], $0x2800, $0x38;
	[tilespmem:$0x5880] =	vst v63  }
0x19: {  	_ =	swait.ge [sflag:s11], $0x2800  }
0x1a: {  	[sflag:s11] =	ssyncset.done $0x0  }
0x1b: {  	[sflag:s11] =	ssyncadd.s32 $0xFFFFD800  }
0x1c: {  	[bflag:$0x0] =	sbarrier.arrive $0xFFFF  }
0x1d: {  	v0 =	vld [tilespmem:$0x0]  }
0x1e: {  	v1 =	vld [tilespmem:$0x10]  }
0x1f: {  	v2 =	vld [tilespmem:$0x20]  }
0x20: {  	v3 =	vld [tilespmem:$0x30]  }
0x21: {  	v4 =	vld [tilespmem:$0x40]  }
0x22: {  	v5 =	vld [tilespmem:$0x50];
	v0 =	vshra.s32 v0, $0x10  }
0x23: {  	v39 =	vld [tilespmem:$0x60];
	v38 =	vshra.s32 v1, $0x10;
	[tilespmem:$0x3000] =	vst v0  }
0x24: {  	v41 =	vld [tilespmem:$0x70];
	v40 =	vshra.s32 v2, $0x10;
	[tilespmem:$0x3010] =	vst v38  }
0x25: {  	v42 =	vshra.s32 v3, $0x10;
	[tilespmem:$0x3020] =	vst v40  }
0x26: {  	v43 =	vshra.s32 v4, $0x10;
	[tilespmem:$0x3030] =	vst v42  }
0x27: {  	v44 =	vshra.s32 v5, $0x10;
	[tilespmem:$0x3040] =	vst v43  }
0x28: {  	v45 =	vshra.s32 v39, $0x10;
	[tilespmem:$0x3050] =	vst v44  }
0x29: {  	v46 =	vshra.s32 v41, $0x10;
	[tilespmem:$0x3060] =	vst v45  }
0x2a: {  	[tilespmem:$0x3070] =	vst v46  }
0x2b: {  	[spmem:s2] =	stream.indirect.scatter.add.f32 [tilespmem:s12], [sflag:$0x1], $0x10, s14, s13, $0xb8;
	[tilespmem:$0x5880] =	vst v63  }
0x2c: {  	v47 =	vld [tilespmem:$0x80]  }
0x2d: {  	v48 =	vld [tilespmem:$0x90]  }
0x2e: {  	v49 =	vld [tilespmem:$0xA0]  }
0x2f: {  	v50 =	vld [tilespmem:$0xB0]  }
0x30: {  	v51 =	vld [tilespmem:$0xC0]  }
0x31: {  	v52 =	vld [tilespmem:$0xD0];
	v0 =	vshra.s32 v47, $0x10  }
0x32: {  	v54 =	vld [tilespmem:$0xE0];
	v53 =	vshra.s32 v48, $0x10;
	[tilespmem:$0x3080] =	vst v0  }
0x33: {  	v56 =	vld [tilespmem:$0xF0];
	v55 =	vshra.s32 v49, $0x10;
	[tilespmem:$0x3090] =	vst v53  }
0x34: {  	v57 =	vshra.s32 v50, $0x10;
	[tilespmem:$0x30A0] =	vst v55  }
0x35: {  	v58 =	vshra.s32 v51, $0x10;
	[tilespmem:$0x30B0] =	vst v57  }
0x36: {  	v59 =	vshra.s32 v52, $0x10;
	[tilespmem:$0x30C0] =	vst v58  }
0x37: {  	v60 =	vshra.s32 v54, $0x10;
	[tilespmem:$0x30D0] =	vst v59  }
0x38: {  	v61 =	vshra.s32 v56, $0x10;
	[tilespmem:$0x30E0] =	vst v60  }
0x39: {  	[tilespmem:$0x30F0] =	vst v61  }
0x3a: {  	[spmem:s2] =	stream.indirect.scatter.add.f32 [tilespmem:s12], [sflag:$0x2], $0x10, s15, s13, $0xb8;
	[tilespmem:$0x5880] =	vst v63  }
0x3b: {  	_ =	swait.ge [sflag:s16], $0x800  }
0x3c: {  	[sflag:s16] =	ssyncset.done $0x0  }
0x3d: {  	s19 =	simm.s32 $0x1F0;
	[sflag:s16] =	ssyncadd.s32 $0xFFFFF800  }
0x3e: {  	v62 =	vld [tilespmem:s19+$0xFFFFFF10];
	_ =	sdelay $0x4  }
0x3f: {  	v0 =	vshra.s32 v62, $0x10  }
0x40: {  	[tilespmem:$0x3000] =	vst v0  }
0x41: {  	v0 =	vld [tilespmem:s19+$0xFFFFFF20];
	_ =	sdelay $0x4  }
0x42: {  	v0 =	vshra.s32 v0, $0x10  }
0x43: {  	[tilespmem:$0x3010] =	vst v0  }
0x44: {  	v0 =	vld [tilespmem:s19+$0xFFFFFF30];
	_ =	sdelay $0x4  }
0x45: {  	v0 =	vshra.s32 v0, $0x10  }
0x46: {  	[tilespmem:$0x3020] =	vst v0  }
0x47: {  	v0 =	vld [tilespmem:s19+$0xFFFFFF40];
	_ =	sdelay $0x4  }
0x48: {  	v0 =	vshra.s32 v0, $0x10  }
0x49: {  	[tilespmem:$0x3030] =	vst v0  }
0x4a: {  	v0 =	vld [tilespmem:s19+$0xFFFFFF50];
	_ =	sdelay $0x4  }
0x4b: {  	v0 =	vshra.s32 v0, $0x10  }
0x4c: {  	[tilespmem:$0x3040] =	vst v0  }
0x4d: {  	v0 =	vld [tilespmem:s19+$0xFFFFFF60];
	_ =	sdelay $0x4  }
0x4e: {  	v0 =	vshra.s32 v0, $0x10  }
0x4f: {  	[tilespmem:$0x3050] =	vst v0  }
0x50: {  	v0 =	vld [tilespmem:s19+$0xFFFFFF70];
	_ =	sdelay $0x4  }
0x51: {  	v0 =	vshra.s32 v0, $0x10  }
0x52: {  	[tilespmem:$0x3060] =	vst v0  }
0x53: {  	v0 =	vld [tilespmem:s19+$0xFFFFFF80];
	_ =	sdelay $0x4  }
0x54: {  	v0 =	vshra.s32 v0, $0x10  }
0x55: {  	[tilespmem:$0x3070] =	vst v0  }
0x56: {  	[spmem:s2] =	stream.indirect.scatter.add.f32 [tilespmem:s12], [sflag:$0x1], $0x10, s14, s13, $0xb8;
	[tilespmem:$0x5880] =	vst v63  }
0x57: {  	_ =	swait.ge [sflag:s17], $0x800  }
0x58: {  	[sflag:s17] =	ssyncset.done $0x0  }
0x59: {  	[sflag:s17] =	ssyncadd.s32 $0xFFFFF800  }
0x5a: {  	v63 =	vld [tilespmem:s19+$0xFFFFFF90];
	_ =	sdelay $0x4  }
0x5b: {  	v0 =	vshra.s32 v63, $0x10  }
0x5c: {  	[tilespmem:$0x3080] =	vst v0  }
0x5d: {  	v0 =	vld [tilespmem:s19+$0xFFFFFFA0];
	_ =	sdelay $0x4  }
0x5e: {  	v0 =	vshra.s32 v0, $0x10  }
0x5f: {  	[tilespmem:$0x3090] =	vst v0  }
0x60: {  	v0 =	vld [tilespmem:s19+$0xFFFFFFB0];
	_ =	sdelay $0x4  }
0x61: {  	v0 =	vshra.s32 v0, $0x10  }
0x62: {  	[tilespmem:$0x30A0] =	vst v0  }
0x63: {  	v0 =	vld [tilespmem:s19+$0xFFFFFFC0];
	_ =	sdelay $0x4  }
0x64: {  	v0 =	vshra.s32 v0, $0x10  }
0x65: {  	[tilespmem:$0x30B0] =	vst v0  }
0x66: {  	v0 =	vld [tilespmem:s19+$0xFFFFFFD0];
	_ =	sdelay $0x4  }
0x67: {  	v0 =	vshra.s32 v0, $0x10  }
0x68: {  	[tilespmem:$0x30C0] =	vst v0  }
0x69: {  	v0 =	vld [tilespmem:s19+$0xFFFFFFE0];
	_ =	sdelay $0x4  }
0x6a: {  	v0 =	vshra.s32 v0, $0x10  }
0x6b: {  	[tilespmem:$0x30D0] =	vst v0  }
0x6c: {  	v0 =	vld [tilespmem:s19+$0xFFFFFFF0];
	_ =	sdelay $0x4  }
0x6d: {  	v0 =	vshra.s32 v0, $0x10  }
0x6e: {  	[tilespmem:$0x30E0] =	vst v0  }
0x6f: {  	v0 =	vld [tilespmem:s19+$0x0];
	_ =	sdelay $0x4  }
0x70: {  	v0 =	vshra.s32 v0, $0x10  }
0x71: {  	s19 =	simm.s32 $0xBC0;
	[tilespmem:$0x30F0] =	vst v0  }
.LBB2_2:
0x72: {  	[spmem:s2] =	stream.indirect.scatter.add.f32 [tilespmem:s12], [sflag:$0x2], $0x10, s15, s13, $0xb8;
	[tilespmem:$0x5880] =	vst v63  }
0x73: {  	s20 =	smov.u32 s19  }
0x74: {  	p0 =	sne.s32 s19, $0x9FC0;
	s19 =	sadd.s32 $0x400, s19;
	_ =	swait.ge [sflag:s16], $0x800  }
0x75: {  	[sflag:s16] =	ssyncset.done $0x0  }
0x76: {  	s20 =	sshra.s32 s20, $0x2;
	[sflag:s16] =	ssyncadd.s32 $0xFFFFF800  }
0x77: {  	v0 =	vld [tilespmem:s20+$0xFFFFFF10];
	_ =	sdelay $0x4  }
0x78: {  	v0 =	vshra.s32 v0, $0x10  }
0x79: {  	[tilespmem:$0x3000] =	vst v0  }
0x7a: {  	v0 =	vld [tilespmem:s20+$0xFFFFFF20];
	_ =	sdelay $0x4  }
0x7b: {  	v0 =	vshra.s32 v0, $0x10  }
0x7c: {  	[tilespmem:$0x3010] =	vst v0  }
0x7d: {  	v0 =	vld [tilespmem:s20+$0xFFFFFF30];
	_ =	sdelay $0x4  }
0x7e: {  	v0 =	vshra.s32 v0, $0x10  }
0x7f: {  	[tilespmem:$0x3020] =	vst v0  }
0x80: {  	v0 =	vld [tilespmem:s20+$0xFFFFFF40];
	_ =	sdelay $0x4  }
0x81: {  	v0 =	vshra.s32 v0, $0x10  }
0x82: {  	[tilespmem:$0x3030] =	vst v0  }
0x83: {  	v0 =	vld [tilespmem:s20+$0xFFFFFF50];
	_ =	sdelay $0x4  }
0x84: {  	v0 =	vshra.s32 v0, $0x10  }
0x85: {  	[tilespmem:$0x3040] =	vst v0  }
0x86: {  	v0 =	vld [tilespmem:s20+$0xFFFFFF60];
	_ =	sdelay $0x4  }
0x87: {  	v0 =	vshra.s32 v0, $0x10  }
0x88: {  	[tilespmem:$0x3050] =	vst v0  }
0x89: {  	v0 =	vld [tilespmem:s20+$0xFFFFFF70];
	_ =	sdelay $0x4  }
0x8a: {  	v0 =	vshra.s32 v0, $0x10  }
0x8b: {  	[tilespmem:$0x3060] =	vst v0  }
0x8c: {  	v0 =	vld [tilespmem:s20+$0xFFFFFF80];
	_ =	sdelay $0x4  }
0x8d: {  	v0 =	vshra.s32 v0, $0x10  }
0x8e: {  	[tilespmem:$0x3070] =	vst v0  }
0x8f: {  	[spmem:s2] =	stream.indirect.scatter.add.f32 [tilespmem:s12], [sflag:$0x1], $0x10, s14, s13, $0xb8;
	[tilespmem:$0x5880] =	vst v63  }
0x90: {  	_ =	swait.ge [sflag:s17], $0x800  }
0x91: {  	[sflag:s17] =	ssyncset.done $0x0  }
0x92: {  	[sflag:s17] =	ssyncadd.s32 $0xFFFFF800  }
0x93: {  	v0 =	vld [tilespmem:s20+$0xFFFFFF90];
	_ =	sdelay $0x4  }
0x94: {  	v0 =	vshra.s32 v0, $0x10  }
0x95: {  	[tilespmem:$0x3080] =	vst v0  }
0x96: {  	v0 =	vld [tilespmem:s20+$0xFFFFFFA0];
	_ =	sdelay $0x4  }
0x97: {  	v0 =	vshra.s32 v0, $0x10  }
0x98: {  	[tilespmem:$0x3090] =	vst v0  }
0x99: {  	v0 =	vld [tilespmem:s20+$0xFFFFFFB0];
	_ =	sdelay $0x4  }
0x9a: {  	v0 =	vshra.s32 v0, $0x10  }
0x9b: {  	[tilespmem:$0x30A0] =	vst v0  }
0x9c: {  	v0 =	vld [tilespmem:s20+$0xFFFFFFC0];
	_ =	sdelay $0x4  }
0x9d: {  	v0 =	vshra.s32 v0, $0x10  }
0x9e: {  	[tilespmem:$0x30B0] =	vst v0  }
0x9f: {  	v0 =	vld [tilespmem:s20+$0xFFFFFFD0];
	_ =	sdelay $0x4  }
0xa0: {  	v0 =	vshra.s32 v0, $0x10  }
0xa1: {  	[tilespmem:$0x30C0] =	vst v0  }
0xa2: {  	v0 =	vld [tilespmem:s20+$0xFFFFFFE0];
	_ =	sdelay $0x4  }
0xa3: {  	v0 =	vshra.s32 v0, $0x10  }
0xa4: {  	[tilespmem:$0x30D0] =	vst v0  }
0xa5: {  	v0 =	vld [tilespmem:s20+$0xFFFFFFF0];
	_ =	sdelay $0x4  }
0xa6: {  	v0 =	vshra.s32 v0, $0x10  }
0xa7: {  	[tilespmem:$0x30E0] =	vst v0  }
0xa8: {  	v0 =	vld [tilespmem:s20+$0x0];
	_ =	sdelay $0x1  }
.Ltmp0:
0xa9: {  	(pc) =	sbr.rel @p0 .LBB2_2-.Ltmp0, $3  }
0xaa: {  	_ =	sdelay $0x1  }
0xab: {  	v0 =	vshra.s32 v0, $0x10  }
0xac: {  	[tilespmem:$0x30F0] =	vst v0  }
0xad: {  	[spmem:s2] =	stream.indirect.scatter.add.f32 [tilespmem:s12], [sflag:$0x2], $0x10, s15, s13, $0xb8;
	[tilespmem:$0x5880] =	vst v63  }
0xae: {  	_ =	swait.ge [sflag:s16], $0x800  }
0xaf: {  	[sflag:s16] =	ssyncset.done $0x0  }
0xb0: {  	[sflag:s16] =	ssyncadd.s32 $0xFFFFF800  }
0xb1: {  	_ =	swait.ge [sflag:s17], $0x800  }
0xb2: {  	s18 =	sadd.s32 $0x1, s18;
	[sflag:s17] =	ssyncset.done $0x0  }
0xb3: {  	p0 =	sne.s32 s18, s9;
	[sflag:s17] =	ssyncadd.s32 $0xFFFFF800  }
.Ltmp1:
0xb4: {  	[bflag:$0x0] =	sbarrier.arrive $0xFFFF;
	(pc) =	sbr.rel @p0 .LBB2_1-.Ltmp1, $4  }
0xb5: {  	[hbm:s8], [sflag:s6] =	dma.local [spmem:s10], $0x4F0  }
0xb6: {  	_ =	swait.ge [sflag:s11], $0x4F0  }
0xb7: {  	[sflag:s11] =	ssyncset.done $0x0  }
0xb8: {  	[sflag:s11] =	ssyncadd.s32 $0xFFFFFB10  }
0xb9: {  	_ =	sfence.sel $0x180000  }
0xba: {  	[bflag:$0x0] =	sbarrier.arrive $0xFFFF  }
0xbb: {  	p0 =	sne.s32 s0, $0x0;
	_ =	strace $0x90000047  }
0xbc: {  	s0 =	sadd.s32 @!p0 $0x100000, s1;
	[bflag:$0x2] =	sbarrier.arrive $0xFFFF  }
0xbd: {  	[sflag:s0] =	ssyncadd.tile.s32 @!p0 $0x1;
	_ =	shalt  }
.Lfunc_end2:
_tile_overlayer_lowered:
.L_overlay_start_2:
0xbe: {  	(tag) =	ssettag $0x2  }
0xbf: {  	s0 =	rddreg [dreg:$0x0];
	s2 =	stileid.u32  }
0xc0: {  	s1 =	rddreg [dreg:$0x1];
	p0 =	sne.s32 s2, $0x0  }
0xc1: {  	s3 =	rddreg [dreg:$0x2];
	[bflag:$0x3] =	sbarrier.arrive $0xFFFF;
	s2 =	simm.s32 @!p0 $0x1C03  }
0xc2: {  	[timem:s3], [sflag:s2] =	dma.local @!p0 [hbm:s0], s1  }
0xc3: {  	s0 =	simm.s32 @!p0 $0x3  }
0xc4: {  	_ =	swait.ge @!p0 [sflag:s0], s1  }
0xc5: {  	s1 =	ssub.s32 @!p0 $0x0, s1;
	[sflag:s0] =	ssyncset.done @!p0 $0x0  }
0xc6: {  	[sflag:s0] =	ssyncadd.s32 @!p0 s1  }
0xc7: {  	[bflag:$0x3] =	sbarrier.arrive $0xFFFF  }
0xc8: {  	_ =	shalt  }

</sc_bundles>
